<compile_context>
chip_gen: v7x
topology: tpu7x:2x2x1
jax: 0.10.2.dev20260603
libtpu: 0.0.44.dev20260713+nightly
codegen_flags: <defaults>
</compile_context>

<pallas_src>
import functools

import jax
import jax.numpy as jnp
from jax import lax
from jax.experimental import pallas as pl
from jax.experimental.pallas import tpu as pltpu
from jax.experimental.pallas import tpu_sc as plsc

SEQ_LEN = 8192
EMB_DIM = 1024
NUM_WORKERS = 32
B_PER_W = SEQ_LEN // NUM_WORKERS
CHUNKS = ((0, 64), (64, 56), (120, 64), (184, 56), (240, 16))
BUF_ROWS = (64, 56)


def _make_lookup():
  mesh = plsc.VectorSubcoreMesh(core_axis_name="c", subcore_axis_name="s")

  @functools.partial(
      pl.kernel,
      mesh=mesh,
      out_type=jax.ShapeDtypeStruct((SEQ_LEN, EMB_DIM), jnp.float32),
      scratch_types=[
          pltpu.VMEM((B_PER_W,), jnp.int32),
          pltpu.VMEM((BUF_ROWS[0], EMB_DIM), jnp.float32),
          pltpu.VMEM((BUF_ROWS[1], EMB_DIM), jnp.float32),
          pltpu.SemaphoreType.DMA,
          pltpu.SemaphoreType.DMA,
          pltpu.SemaphoreType.DMA,
      ],
  )
  def lookup(idx_hbm, table_hbm, out_hbm, idx_v, rows_a, rows_b,
             gsem_a, gsem_b, isem):
    wid = lax.axis_index("s") * 2 + lax.axis_index("c")
    base = wid * B_PER_W
    bufs = (rows_a, rows_b)
    gsems = (gsem_a, gsem_b)
    first = CHUNKS[0][1]

    pltpu.sync_copy(idx_hbm.at[pl.ds(base, first)], idx_v.at[pl.ds(0, first)])

    def gather_copy(i):
      off, cnt = CHUNKS[i]
      buf = i % 2
      return pltpu.make_async_copy(
          table_hbm.at[idx_v.at[pl.ds(off, cnt)]],
          bufs[buf].at[pl.ds(0, cnt)],
          gsems[buf],
      )

    def write_back(i):
      off, cnt = CHUNKS[i]
      pltpu.sync_copy(bufs[i % 2].at[pl.ds(0, cnt)],
                      out_hbm.at[pl.ds(base + off, cnt)])

    gather_copy(0).start()
    rest = pltpu.make_async_copy(
        idx_hbm.at[pl.ds(base + first, B_PER_W - first)],
        idx_v.at[pl.ds(first, B_PER_W - first)],
        isem,
    )
    rest.start()
    rest.wait()

    for i in range(len(CHUNKS)):
      if i + 1 < len(CHUNKS):
        gather_copy(i + 1).start()
      gather_copy(i).wait()
      write_back(i)

  return lookup


_lookup = _make_lookup()


@jax.jit
def kernel(idxs, table):
  return _lookup(idxs.astype(jnp.int32), table)

# --- scband reference (transcript-rebuilt; emitter-appended) ---
"""Pipeline reference for scband-learned-positional-encoder-87299505258517 (READ-ONLY COPY).

The authoritative reference and input builder live on the scoring server;
editing this copy changes nothing except your own understanding.
"""

import jax, jax.numpy as jnp
import numpy as np

SEQ_LEN = 8192
EMB_DIM = 1024

def setup_inputs(seed: int = 0) -> dict:
    key = jax.random.key(seed)
    k_idx, k_tab = jax.random.split(key)
    idxs = jax.random.randint(k_idx, (8192,), 0, SEQ_LEN, dtype=jnp.int64 if jax.config.jax_enable_x64 else jnp.int32)
    table = jax.random.normal(k_tab, (SEQ_LEN, EMB_DIM), dtype=jnp.float32)
    return {"idxs": idxs, "table": table}

def reference(idxs, table):
    # LearnedPositionalEncoder.forward: nn.Embedding lookup on 1D indices
    return jnp.take(table, idxs, axis=0)

if __name__ == "__main__":
    import jax
    _d = setup_inputs()
    print(jax.jit(kernel)(*tuple(_d.values())))

</pallas_src>

<mosaic_0001>
#map = affine_map<(d0, d1) -> (0)>
#map1 = affine_map<(d0, d1) -> (0, 0)>
module attributes {stable_mosaic.version = 14 : i64} {
  func.func @lookup(%arg0: i32, %arg1: i32, %arg2: memref<8192xi32, #tpu.memory_space<hbm>>, %arg3: memref<8192x1024xf32, #tpu.memory_space<hbm>>, %arg4: memref<8192x1024xf32, #tpu.memory_space<hbm>>, %arg5: memref<256xi32, #tpu.memory_space<vmem>>, %arg6: memref<64x1024xf32, #tpu.memory_space<vmem>>, %arg7: memref<56x1024xf32, #tpu.memory_space<vmem>>, %arg8: memref<!tpu.dma_semaphore, #tpu.memory_space<semaphore_mem>>, %arg9: memref<!tpu.dma_semaphore, #tpu.memory_space<semaphore_mem>>, %arg10: memref<!tpu.dma_semaphore, #tpu.memory_space<semaphore_mem>>) attributes {dimension_semantics = [#tpu.dimension_semantics<core_parallel>, #tpu.dimension_semantics<subcore_parallel>], iteration_bounds = array<i64: 2, 16>, scalar_prefetch = 0 : i64, scratch_operands = 6 : i64, tpu.core_type = #tpu.core_type<sc_vector_subcore>, window_params = [{transform_indices = #map}, {transform_indices = #map1}, {transform_indices = #map1}]} {
    %mul3A = arith.constant 2 : i32
    %mul3A_0 = arith.muli %arg1, %mul3A : i32
    %add3A = arith.addi %mul3A_0, %arg0 : i32
    %mul3A_1 = arith.constant 256 : i32
    %mul3A_2 = arith.muli %add3A, %mul3A_1 : i32
    "tpu.region"() ({
      %run_scoped3A = tpu.sem_alloc : memref<!tpu.dma_semaphore, #tpu.memory_space<semaphore_mem>>
      %dma_start3A_105 = arith.constant 0 : i32
      %dma_start3A_106 = tpu.memref_slice %arg5[%dma_start3A_105] : memref<256xi32, #tpu.memory_space<vmem>> -> memref<64xi32, #tpu.memory_space<vmem>>
      %dma_start3A_107 = tpu.memref_slice %arg2[%mul3A_2] : memref<8192xi32, #tpu.memory_space<hbm>> -> memref<64xi32, #tpu.memory_space<hbm>>
      %dma_start3A_108 = arith.constant 0 : i32
      %dma_start3A_109 = tpu.memref_slice %arg5[%dma_start3A_108] : memref<256xi32, #tpu.memory_space<vmem>> -> memref<64xi32, #tpu.memory_space<vmem>>
      %dma_start3A_110 = tpu.memref_slice %arg2[%mul3A_2] : memref<8192xi32, #tpu.memory_space<hbm>> -> memref<64xi32, #tpu.memory_space<hbm>>
      tpu.enqueue_dma source(%dma_start3A_110 : memref<64xi32, #tpu.memory_space<hbm>>) target(%dma_start3A_109 : memref<64xi32, #tpu.memory_space<vmem>>) target_semaphore(%run_scoped3A : memref<!tpu.dma_semaphore, #tpu.memory_space<semaphore_mem>>)
      %dma_wait3A_111 = arith.constant 0 : i32
      %dma_wait3A_112 = tpu.memref_slice %arg5[%dma_wait3A_111] : memref<256xi32, #tpu.memory_space<vmem>> -> memref<64xi32, #tpu.memory_space<vmem>>
      %dma_wait3A_113 = tpu.memref_slice %arg2[%mul3A_2] : memref<8192xi32, #tpu.memory_space<hbm>> -> memref<64xi32, #tpu.memory_space<hbm>>
      %dma_wait3A_114 = arith.constant 0 : i32
      %dma_wait3A_115 = tpu.memref_slice %arg5[%dma_wait3A_114] : memref<256xi32, #tpu.memory_space<vmem>> -> memref<64xi32, #tpu.memory_space<vmem>>
      %dma_wait3A_116 = tpu.memref_slice %arg2[%mul3A_2] : memref<8192xi32, #tpu.memory_space<hbm>> -> memref<64xi32, #tpu.memory_space<hbm>>
      tpu.wait_dma2 semaphore(%run_scoped3A : memref<!tpu.dma_semaphore, #tpu.memory_space<semaphore_mem>>) src(%dma_wait3A_116 : memref<64xi32, #tpu.memory_space<hbm>>) dst(%dma_wait3A_115 : memref<64xi32, #tpu.memory_space<vmem>>)
      tpu.yield
    }) : () -> ()
    %dma_start3A = arith.constant 0 : i32
    %dma_start3A_3 = arith.constant 0 : i32
    %dma_start3A_4 = tpu.memref_slice %arg6[%dma_start3A, %dma_start3A_3] : memref<64x1024xf32, #tpu.memory_space<vmem>> -> memref<64x1024xf32, #tpu.memory_space<vmem>>
    %dma_start3A_5 = arith.constant 0 : i32
    %dma_start3A_6 = tpu.memref_slice %arg5[%dma_start3A_5] : memref<256xi32, #tpu.memory_space<vmem>> -> memref<64xi32, #tpu.memory_space<vmem>>
    %dma_start3A_7 = arith.constant 0 : i32
    %dma_start3A_8 = arith.constant 0 : i32
    %dma_start3A_9 = tpu.memref_slice %arg3[%dma_start3A_7, %dma_start3A_8] : memref<8192x1024xf32, #tpu.memory_space<hbm>> -> memref<8192x1024xf32, #tpu.memory_space<hbm>>
    tpu.enqueue_indirect_dma source(%dma_start3A_9 : memref<8192x1024xf32, #tpu.memory_space<hbm>>) target(%dma_start3A_4 : memref<64x1024xf32, #tpu.memory_space<vmem>>) offsets(%dma_start3A_6 : memref<64xi32, #tpu.memory_space<vmem>>) semaphore(%arg8 : memref<!tpu.dma_semaphore, #tpu.memory_space<semaphore_mem>>)
    %add3A_10 = arith.constant 64 : i32
    %add3A_11 = arith.addi %mul3A_2, %add3A_10 : i32
    %dma_start3A_12 = arith.constant 64 : i32
    %dma_start3A_13 = tpu.memref_slice %arg5[%dma_start3A_12] : memref<256xi32, #tpu.memory_space<vmem>> -> memref<192xi32, #tpu.memory_space<vmem>>
    %dma_start3A_14 = tpu.memref_slice %arg2[%add3A_11] : memref<8192xi32, #tpu.memory_space<hbm>> -> memref<192xi32, #tpu.memory_space<hbm>>
    %dma_start3A_15 = arith.constant 64 : i32
    %dma_start3A_16 = tpu.memref_slice %arg5[%dma_start3A_15] : memref<256xi32, #tpu.memory_space<vmem>> -> memref<192xi32, #tpu.memory_space<vmem>>
    %dma_start3A_17 = tpu.memref_slice %arg2[%add3A_11] : memref<8192xi32, #tpu.memory_space<hbm>> -> memref<192xi32, #tpu.memory_space<hbm>>
    tpu.enqueue_dma source(%dma_start3A_17 : memref<192xi32, #tpu.memory_space<hbm>>) target(%dma_start3A_16 : memref<192xi32, #tpu.memory_space<vmem>>) target_semaphore(%arg10 : memref<!tpu.dma_semaphore, #tpu.memory_space<semaphore_mem>>)
    %dma_wait3A = arith.constant 64 : i32
    %dma_wait3A_18 = tpu.memref_slice %arg5[%dma_wait3A] : memref<256xi32, #tpu.memory_space<vmem>> -> memref<192xi32, #tpu.memory_space<vmem>>
    %dma_wait3A_19 = tpu.memref_slice %arg2[%add3A_11] : memref<8192xi32, #tpu.memory_space<hbm>> -> memref<192xi32, #tpu.memory_space<hbm>>
    %dma_wait3A_20 = arith.constant 64 : i32
    %dma_wait3A_21 = tpu.memref_slice %arg5[%dma_wait3A_20] : memref<256xi32, #tpu.memory_space<vmem>> -> memref<192xi32, #tpu.memory_space<vmem>>
    %dma_wait3A_22 = tpu.memref_slice %arg2[%add3A_11] : memref<8192xi32, #tpu.memory_space<hbm>> -> memref<192xi32, #tpu.memory_space<hbm>>
    tpu.wait_dma2 semaphore(%arg10 : memref<!tpu.dma_semaphore, #tpu.memory_space<semaphore_mem>>) src(%dma_wait3A_22 : memref<192xi32, #tpu.memory_space<hbm>>) dst(%dma_wait3A_21 : memref<192xi32, #tpu.memory_space<vmem>>)
    %dma_start3A_23 = arith.constant 0 : i32
    %dma_start3A_24 = arith.constant 0 : i32
    %dma_start3A_25 = tpu.memref_slice %arg7[%dma_start3A_23, %dma_start3A_24] : memref<56x1024xf32, #tpu.memory_space<vmem>> -> memref<56x1024xf32, #tpu.memory_space<vmem>>
    %dma_start3A_26 = arith.constant 64 : i32
    %dma_start3A_27 = tpu.memref_slice %arg5[%dma_start3A_26] : memref<256xi32, #tpu.memory_space<vmem>> -> memref<56xi32, #tpu.memory_space<vmem>>
    %dma_start3A_28 = arith.constant 0 : i32
    %dma_start3A_29 = arith.constant 0 : i32
    %dma_start3A_30 = tpu.memref_slice %arg3[%dma_start3A_28, %dma_start3A_29] : memref<8192x1024xf32, #tpu.memory_space<hbm>> -> memref<8192x1024xf32, #tpu.memory_space<hbm>>
    tpu.enqueue_indirect_dma source(%dma_start3A_30 : memref<8192x1024xf32, #tpu.memory_space<hbm>>) target(%dma_start3A_25 : memref<56x1024xf32, #tpu.memory_space<vmem>>) offsets(%dma_start3A_27 : memref<56xi32, #tpu.memory_space<vmem>>) semaphore(%arg9 : memref<!tpu.dma_semaphore, #tpu.memory_space<semaphore_mem>>)
    %dma_wait3A_31 = arith.constant 0 : i32
    %dma_wait3A_32 = arith.constant 0 : i32
    %dma_wait3A_33 = tpu.memref_slice %arg6[%dma_wait3A_31, %dma_wait3A_32] : memref<64x1024xf32, #tpu.memory_space<vmem>> -> memref<64x1024xf32, #tpu.memory_space<vmem>>
    %dma_wait3A_34 = arith.constant 0 : i32
    %dma_wait3A_35 = tpu.memref_slice %arg5[%dma_wait3A_34] : memref<256xi32, #tpu.memory_space<vmem>> -> memref<64xi32, #tpu.memory_space<vmem>>
    %dma_wait3A_36 = arith.constant 0 : i32
    %dma_wait3A_37 = arith.constant 0 : i32
    %dma_wait3A_38 = tpu.memref_slice %arg3[%dma_wait3A_36, %dma_wait3A_37] : memref<8192x1024xf32, #tpu.memory_space<hbm>> -> memref<8192x1024xf32, #tpu.memory_space<hbm>>
    tpu.wait_indirect_dma semaphore(%arg8 : memref<!tpu.dma_semaphore, #tpu.memory_space<semaphore_mem>>) src(%dma_wait3A_38 : memref<8192x1024xf32, #tpu.memory_space<hbm>>) dst(%dma_wait3A_33 : memref<64x1024xf32, #tpu.memory_space<vmem>>)
    %add3A_39 = arith.constant 0 : i32
    %add3A_40 = arith.addi %mul3A_2, %add3A_39 : i32
    "tpu.region"() ({
      %run_scoped3A = tpu.sem_alloc : memref<!tpu.dma_semaphore, #tpu.memory_space<semaphore_mem>>
      %dma_start3A_105 = arith.constant 0 : i32
      %dma_start3A_106 = arith.constant 0 : i32
      %dma_start3A_107 = tpu.memref_slice %arg6[%dma_start3A_105, %dma_start3A_106] : memref<64x1024xf32, #tpu.memory_space<vmem>> -> memref<64x1024xf32, #tpu.memory_space<vmem>>
      %dma_start3A_108 = arith.constant 0 : i32
      %dma_start3A_109 = tpu.memref_slice %arg4[%add3A_40, %dma_start3A_108] : memref<8192x1024xf32, #tpu.memory_space<hbm>> -> memref<64x1024xf32, #tpu.memory_space<hbm>>
      %dma_start3A_110 = arith.constant 0 : i32
      %dma_start3A_111 = tpu.memref_slice %arg4[%add3A_40, %dma_start3A_110] : memref<8192x1024xf32, #tpu.memory_space<hbm>> -> memref<64x1024xf32, #tpu.memory_space<hbm>>
      %dma_start3A_112 = arith.constant 0 : i32
      %dma_start3A_113 = arith.constant 0 : i32
      %dma_start3A_114 = tpu.memref_slice %arg6[%dma_start3A_112, %dma_start3A_113] : memref<64x1024xf32, #tpu.memory_space<vmem>> -> memref<64x1024xf32, #tpu.memory_space<vmem>>
      tpu.enqueue_dma source(%dma_start3A_114 : memref<64x1024xf32, #tpu.memory_space<vmem>>) target(%dma_start3A_111 : memref<64x1024xf32, #tpu.memory_space<hbm>>) target_semaphore(%run_scoped3A : memref<!tpu.dma_semaphore, #tpu.memory_space<semaphore_mem>>)
      %dma_wait3A_115 = arith.constant 0 : i32
      %dma_wait3A_116 = arith.constant 0 : i32
      %dma_wait3A_117 = tpu.memref_slice %arg6[%dma_wait3A_115, %dma_wait3A_116] : memref<64x1024xf32, #tpu.memory_space<vmem>> -> memref<64x1024xf32, #tpu.memory_space<vmem>>
      %dma_wait3A_118 = arith.constant 0 : i32
      %dma_wait3A_119 = tpu.memref_slice %arg4[%add3A_40, %dma_wait3A_118] : memref<8192x1024xf32, #tpu.memory_space<hbm>> -> memref<64x1024xf32, #tpu.memory_space<hbm>>
      %dma_wait3A_120 = arith.constant 0 : i32
      %dma_wait3A_121 = tpu.memref_slice %arg4[%add3A_40, %dma_wait3A_120] : memref<8192x1024xf32, #tpu.memory_space<hbm>> -> memref<64x1024xf32, #tpu.memory_space<hbm>>
      %dma_wait3A_122 = arith.constant 0 : i32
      %dma_wait3A_123 = arith.constant 0 : i32
      %dma_wait3A_124 = tpu.memref_slice %arg6[%dma_wait3A_122, %dma_wait3A_123] : memref<64x1024xf32, #tpu.memory_space<vmem>> -> memref<64x1024xf32, #tpu.memory_space<vmem>>
      tpu.wait_dma2 semaphore(%run_scoped3A : memref<!tpu.dma_semaphore, #tpu.memory_space<semaphore_mem>>) src(%dma_wait3A_124 : memref<64x1024xf32, #tpu.memory_space<vmem>>) dst(%dma_wait3A_121 : memref<64x1024xf32, #tpu.memory_space<hbm>>)
      tpu.yield
    }) : () -> ()
    %dma_start3A_41 = arith.constant 0 : i32
    %dma_start3A_42 = arith.constant 0 : i32
    %dma_start3A_43 = tpu.memref_slice %arg6[%dma_start3A_41, %dma_start3A_42] : memref<64x1024xf32, #tpu.memory_space<vmem>> -> memref<64x1024xf32, #tpu.memory_space<vmem>>
    %dma_start3A_44 = arith.constant 120 : i32
    %dma_start3A_45 = tpu.memref_slice %arg5[%dma_start3A_44] : memref<256xi32, #tpu.memory_space<vmem>> -> memref<64xi32, #tpu.memory_space<vmem>>
    %dma_start3A_46 = arith.constant 0 : i32
    %dma_start3A_47 = arith.constant 0 : i32
    %dma_start3A_48 = tpu.memref_slice %arg3[%dma_start3A_46, %dma_start3A_47] : memref<8192x1024xf32, #tpu.memory_space<hbm>> -> memref<8192x1024xf32, #tpu.memory_space<hbm>>
    tpu.enqueue_indirect_dma source(%dma_start3A_48 : memref<8192x1024xf32, #tpu.memory_space<hbm>>) target(%dma_start3A_43 : memref<64x1024xf32, #tpu.memory_space<vmem>>) offsets(%dma_start3A_45 : memref<64xi32, #tpu.memory_space<vmem>>) semaphore(%arg8 : memref<!tpu.dma_semaphore, #tpu.memory_space<semaphore_mem>>)
    %dma_wait3A_49 = arith.constant 0 : i32
    %dma_wait3A_50 = arith.constant 0 : i32
    %dma_wait3A_51 = tpu.memref_slice %arg7[%dma_wait3A_49, %dma_wait3A_50] : memref<56x1024xf32, #tpu.memory_space<vmem>> -> memref<56x1024xf32, #tpu.memory_space<vmem>>
    %dma_wait3A_52 = arith.constant 64 : i32
    %dma_wait3A_53 = tpu.memref_slice %arg5[%dma_wait3A_52] : memref<256xi32, #tpu.memory_space<vmem>> -> memref<56xi32, #tpu.memory_space<vmem>>
    %dma_wait3A_54 = arith.constant 0 : i32
    %dma_wait3A_55 = arith.constant 0 : i32
    %dma_wait3A_56 = tpu.memref_slice %arg3[%dma_wait3A_54, %dma_wait3A_55] : memref<8192x1024xf32, #tpu.memory_space<hbm>> -> memref<8192x1024xf32, #tpu.memory_space<hbm>>
    tpu.wait_indirect_dma semaphore(%arg9 : memref<!tpu.dma_semaphore, #tpu.memory_space<semaphore_mem>>) src(%dma_wait3A_56 : memref<8192x1024xf32, #tpu.memory_space<hbm>>) dst(%dma_wait3A_51 : memref<56x1024xf32, #tpu.memory_space<vmem>>)
    %add3A_57 = arith.constant 64 : i32
    %add3A_58 = arith.addi %mul3A_2, %add3A_57 : i32
    "tpu.region"() ({
      %run_scoped3A = tpu.sem_alloc : memref<!tpu.dma_semaphore, #tpu.memory_space<semaphore_mem>>
      %dma_start3A_105 = arith.constant 0 : i32
      %dma_start3A_106 = arith.constant 0 : i32
      %dma_start3A_107 = tpu.memref_slice %arg7[%dma_start3A_105, %dma_start3A_106] : memref<56x1024xf32, #tpu.memory_space<vmem>> -> memref<56x1024xf32, #tpu.memory_space<vmem>>
      %dma_start3A_108 = arith.constant 0 : i32
      %dma_start3A_109 = tpu.memref_slice %arg4[%add3A_58, %dma_start3A_108] : memref<8192x1024xf32, #tpu.memory_space<hbm>> -> memref<56x1024xf32, #tpu.memory_space<hbm>>
      %dma_start3A_110 = arith.constant 0 : i32
      %dma_start3A_111 = tpu.memref_slice %arg4[%add3A_58, %dma_start3A_110] : memref<8192x1024xf32, #tpu.memory_space<hbm>> -> memref<56x1024xf32, #tpu.memory_space<hbm>>
      %dma_start3A_112 = arith.constant 0 : i32
      %dma_start3A_113 = arith.constant 0 : i32
      %dma_start3A_114 = tpu.memref_slice %arg7[%dma_start3A_112, %dma_start3A_113] : memref<56x1024xf32, #tpu.memory_space<vmem>> -> memref<56x1024xf32, #tpu.memory_space<vmem>>
      tpu.enqueue_dma source(%dma_start3A_114 : memref<56x1024xf32, #tpu.memory_space<vmem>>) target(%dma_start3A_111 : memref<56x1024xf32, #tpu.memory_space<hbm>>) target_semaphore(%run_scoped3A : memref<!tpu.dma_semaphore, #tpu.memory_space<semaphore_mem>>)
      %dma_wait3A_115 = arith.constant 0 : i32
      %dma_wait3A_116 = arith.constant 0 : i32
      %dma_wait3A_117 = tpu.memref_slice %arg7[%dma_wait3A_115, %dma_wait3A_116] : memref<56x1024xf32, #tpu.memory_space<vmem>> -> memref<56x1024xf32, #tpu.memory_space<vmem>>
      %dma_wait3A_118 = arith.constant 0 : i32
      %dma_wait3A_119 = tpu.memref_slice %arg4[%add3A_58, %dma_wait3A_118] : memref<8192x1024xf32, #tpu.memory_space<hbm>> -> memref<56x1024xf32, #tpu.memory_space<hbm>>
      %dma_wait3A_120 = arith.constant 0 : i32
      %dma_wait3A_121 = tpu.memref_slice %arg4[%add3A_58, %dma_wait3A_120] : memref<8192x1024xf32, #tpu.memory_space<hbm>> -> memref<56x1024xf32, #tpu.memory_space<hbm>>
      %dma_wait3A_122 = arith.constant 0 : i32
      %dma_wait3A_123 = arith.constant 0 : i32
      %dma_wait3A_124 = tpu.memref_slice %arg7[%dma_wait3A_122, %dma_wait3A_123] : memref<56x1024xf32, #tpu.memory_space<vmem>> -> memref<56x1024xf32, #tpu.memory_space<vmem>>
      tpu.wait_dma2 semaphore(%run_scoped3A : memref<!tpu.dma_semaphore, #tpu.memory_space<semaphore_mem>>) src(%dma_wait3A_124 : memref<56x1024xf32, #tpu.memory_space<vmem>>) dst(%dma_wait3A_121 : memref<56x1024xf32, #tpu.memory_space<hbm>>)
      tpu.yield
    }) : () -> ()
    %dma_start3A_59 = arith.constant 0 : i32
    %dma_start3A_60 = arith.constant 0 : i32
    %dma_start3A_61 = tpu.memref_slice %arg7[%dma_start3A_59, %dma_start3A_60] : memref<56x1024xf32, #tpu.memory_space<vmem>> -> memref<56x1024xf32, #tpu.memory_space<vmem>>
    %dma_start3A_62 = arith.constant 184 : i32
    %dma_start3A_63 = tpu.memref_slice %arg5[%dma_start3A_62] : memref<256xi32, #tpu.memory_space<vmem>> -> memref<56xi32, #tpu.memory_space<vmem>>
    %dma_start3A_64 = arith.constant 0 : i32
    %dma_start3A_65 = arith.constant 0 : i32
    %dma_start3A_66 = tpu.memref_slice %arg3[%dma_start3A_64, %dma_start3A_65] : memref<8192x1024xf32, #tpu.memory_space<hbm>> -> memref<8192x1024xf32, #tpu.memory_space<hbm>>
    tpu.enqueue_indirect_dma source(%dma_start3A_66 : memref<8192x1024xf32, #tpu.memory_space<hbm>>) target(%dma_start3A_61 : memref<56x1024xf32, #tpu.memory_space<vmem>>) offsets(%dma_start3A_63 : memref<56xi32, #tpu.memory_space<vmem>>) semaphore(%arg9 : memref<!tpu.dma_semaphore, #tpu.memory_space<semaphore_mem>>)
    %dma_wait3A_67 = arith.constant 0 : i32
    %dma_wait3A_68 = arith.constant 0 : i32
    %dma_wait3A_69 = tpu.memref_slice %arg6[%dma_wait3A_67, %dma_wait3A_68] : memref<64x1024xf32, #tpu.memory_space<vmem>> -> memref<64x1024xf32, #tpu.memory_space<vmem>>
    %dma_wait3A_70 = arith.constant 120 : i32
    %dma_wait3A_71 = tpu.memref_slice %arg5[%dma_wait3A_70] : memref<256xi32, #tpu.memory_space<vmem>> -> memref<64xi32, #tpu.memory_space<vmem>>
    %dma_wait3A_72 = arith.constant 0 : i32
    %dma_wait3A_73 = arith.constant 0 : i32
    %dma_wait3A_74 = tpu.memref_slice %arg3[%dma_wait3A_72, %dma_wait3A_73] : memref<8192x1024xf32, #tpu.memory_space<hbm>> -> memref<8192x1024xf32, #tpu.memory_space<hbm>>
    tpu.wait_indirect_dma semaphore(%arg8 : memref<!tpu.dma_semaphore, #tpu.memory_space<semaphore_mem>>) src(%dma_wait3A_74 : memref<8192x1024xf32, #tpu.memory_space<hbm>>) dst(%dma_wait3A_69 : memref<64x1024xf32, #tpu.memory_space<vmem>>)
    %add3A_75 = arith.constant 120 : i32
    %add3A_76 = arith.addi %mul3A_2, %add3A_75 : i32
    "tpu.region"() ({
      %run_scoped3A = tpu.sem_alloc : memref<!tpu.dma_semaphore, #tpu.memory_space<semaphore_mem>>
      %dma_start3A_105 = arith.constant 0 : i32
      %dma_start3A_106 = arith.constant 0 : i32
      %dma_start3A_107 = tpu.memref_slice %arg6[%dma_start3A_105, %dma_start3A_106] : memref<64x1024xf32, #tpu.memory_space<vmem>> -> memref<64x1024xf32, #tpu.memory_space<vmem>>
      %dma_start3A_108 = arith.constant 0 : i32
      %dma_start3A_109 = tpu.memref_slice %arg4[%add3A_76, %dma_start3A_108] : memref<8192x1024xf32, #tpu.memory_space<hbm>> -> memref<64x1024xf32, #tpu.memory_space<hbm>>
      %dma_start3A_110 = arith.constant 0 : i32
      %dma_start3A_111 = tpu.memref_slice %arg4[%add3A_76, %dma_start3A_110] : memref<8192x1024xf32, #tpu.memory_space<hbm>> -> memref<64x1024xf32, #tpu.memory_space<hbm>>
      %dma_start3A_112 = arith.constant 0 : i32
      %dma_start3A_113 = arith.constant 0 : i32
      %dma_start3A_114 = tpu.memref_slice %arg6[%dma_start3A_112, %dma_start3A_113] : memref<64x1024xf32, #tpu.memory_space<vmem>> -> memref<64x1024xf32, #tpu.memory_space<vmem>>
      tpu.enqueue_dma source(%dma_start3A_114 : memref<64x1024xf32, #tpu.memory_space<vmem>>) target(%dma_start3A_111 : memref<64x1024xf32, #tpu.memory_space<hbm>>) target_semaphore(%run_scoped3A : memref<!tpu.dma_semaphore, #tpu.memory_space<semaphore_mem>>)
      %dma_wait3A_115 = arith.constant 0 : i32
      %dma_wait3A_116 = arith.constant 0 : i32
      %dma_wait3A_117 = tpu.memref_slice %arg6[%dma_wait3A_115, %dma_wait3A_116] : memref<64x1024xf32, #tpu.memory_space<vmem>> -> memref<64x1024xf32, #tpu.memory_space<vmem>>
      %dma_wait3A_118 = arith.constant 0 : i32
      %dma_wait3A_119 = tpu.memref_slice %arg4[%add3A_76, %dma_wait3A_118] : memref<8192x1024xf32, #tpu.memory_space<hbm>> -> memref<64x1024xf32, #tpu.memory_space<hbm>>
      %dma_wait3A_120 = arith.constant 0 : i32
      %dma_wait3A_121 = tpu.memref_slice %arg4[%add3A_76, %dma_wait3A_120] : memref<8192x1024xf32, #tpu.memory_space<hbm>> -> memref<64x1024xf32, #tpu.memory_space<hbm>>
      %dma_wait3A_122 = arith.constant 0 : i32
      %dma_wait3A_123 = arith.constant 0 : i32
      %dma_wait3A_124 = tpu.memref_slice %arg6[%dma_wait3A_122, %dma_wait3A_123] : memref<64x1024xf32, #tpu.memory_space<vmem>> -> memref<64x1024xf32, #tpu.memory_space<vmem>>
      tpu.wait_dma2 semaphore(%run_scoped3A : memref<!tpu.dma_semaphore, #tpu.memory_space<semaphore_mem>>) src(%dma_wait3A_124 : memref<64x1024xf32, #tpu.memory_space<vmem>>) dst(%dma_wait3A_121 : memref<64x1024xf32, #tpu.memory_space<hbm>>)
      tpu.yield
    }) : () -> ()
    %dma_start3A_77 = arith.constant 0 : i32
    %dma_start3A_78 = arith.constant 0 : i32
    %dma_start3A_79 = tpu.memref_slice %arg6[%dma_start3A_77, %dma_start3A_78] : memref<64x1024xf32, #tpu.memory_space<vmem>> -> memref<16x1024xf32, #tpu.memory_space<vmem>>
    %dma_start3A_80 = arith.constant 240 : i32
    %dma_start3A_81 = tpu.memref_slice %arg5[%dma_start3A_80] : memref<256xi32, #tpu.memory_space<vmem>> -> memref<16xi32, #tpu.memory_space<vmem>>
    %dma_start3A_82 = arith.constant 0 : i32
    %dma_start3A_83 = arith.constant 0 : i32
    %dma_start3A_84 = tpu.memref_slice %arg3[%dma_start3A_82, %dma_start3A_83] : memref<8192x1024xf32, #tpu.memory_space<hbm>> -> memref<8192x1024xf32, #tpu.memory_space<hbm>>
    tpu.enqueue_indirect_dma source(%dma_start3A_84 : memref<8192x1024xf32, #tpu.memory_space<hbm>>) target(%dma_start3A_79 : memref<16x1024xf32, #tpu.memory_space<vmem>>) offsets(%dma_start3A_81 : memref<16xi32, #tpu.memory_space<vmem>>) semaphore(%arg8 : memref<!tpu.dma_semaphore, #tpu.memory_space<semaphore_mem>>)
    %dma_wait3A_85 = arith.constant 0 : i32
    %dma_wait3A_86 = arith.constant 0 : i32
    %dma_wait3A_87 = tpu.memref_slice %arg7[%dma_wait3A_85, %dma_wait3A_86] : memref<56x1024xf32, #tpu.memory_space<vmem>> -> memref<56x1024xf32, #tpu.memory_space<vmem>>
    %dma_wait3A_88 = arith.constant 184 : i32
    %dma_wait3A_89 = tpu.memref_slice %arg5[%dma_wait3A_88] : memref<256xi32, #tpu.memory_space<vmem>> -> memref<56xi32, #tpu.memory_space<vmem>>
    %dma_wait3A_90 = arith.constant 0 : i32
    %dma_wait3A_91 = arith.constant 0 : i32
    %dma_wait3A_92 = tpu.memref_slice %arg3[%dma_wait3A_90, %dma_wait3A_91] : memref<8192x1024xf32, #tpu.memory_space<hbm>> -> memref<8192x1024xf32, #tpu.memory_space<hbm>>
    tpu.wait_indirect_dma semaphore(%arg9 : memref<!tpu.dma_semaphore, #tpu.memory_space<semaphore_mem>>) src(%dma_wait3A_92 : memref<8192x1024xf32, #tpu.memory_space<hbm>>) dst(%dma_wait3A_87 : memref<56x1024xf32, #tpu.memory_space<vmem>>)
    %add3A_93 = arith.constant 184 : i32
    %add3A_94 = arith.addi %mul3A_2, %add3A_93 : i32
    "tpu.region"() ({
      %run_scoped3A = tpu.sem_alloc : memref<!tpu.dma_semaphore, #tpu.memory_space<semaphore_mem>>
      %dma_start3A_105 = arith.constant 0 : i32
      %dma_start3A_106 = arith.constant 0 : i32
      %dma_start3A_107 = tpu.memref_slice %arg7[%dma_start3A_105, %dma_start3A_106] : memref<56x1024xf32, #tpu.memory_space<vmem>> -> memref<56x1024xf32, #tpu.memory_space<vmem>>
      %dma_start3A_108 = arith.constant 0 : i32
      %dma_start3A_109 = tpu.memref_slice %arg4[%add3A_94, %dma_start3A_108] : memref<8192x1024xf32, #tpu.memory_space<hbm>> -> memref<56x1024xf32, #tpu.memory_space<hbm>>
      %dma_start3A_110 = arith.constant 0 : i32
      %dma_start3A_111 = tpu.memref_slice %arg4[%add3A_94, %dma_start3A_110] : memref<8192x1024xf32, #tpu.memory_space<hbm>> -> memref<56x1024xf32, #tpu.memory_space<hbm>>
      %dma_start3A_112 = arith.constant 0 : i32
      %dma_start3A_113 = arith.constant 0 : i32
      %dma_start3A_114 = tpu.memref_slice %arg7[%dma_start3A_112, %dma_start3A_113] : memref<56x1024xf32, #tpu.memory_space<vmem>> -> memref<56x1024xf32, #tpu.memory_space<vmem>>
      tpu.enqueue_dma source(%dma_start3A_114 : memref<56x1024xf32, #tpu.memory_space<vmem>>) target(%dma_start3A_111 : memref<56x1024xf32, #tpu.memory_space<hbm>>) target_semaphore(%run_scoped3A : memref<!tpu.dma_semaphore, #tpu.memory_space<semaphore_mem>>)
      %dma_wait3A_115 = arith.constant 0 : i32
      %dma_wait3A_116 = arith.constant 0 : i32
      %dma_wait3A_117 = tpu.memref_slice %arg7[%dma_wait3A_115, %dma_wait3A_116] : memref<56x1024xf32, #tpu.memory_space<vmem>> -> memref<56x1024xf32, #tpu.memory_space<vmem>>
      %dma_wait3A_118 = arith.constant 0 : i32
      %dma_wait3A_119 = tpu.memref_slice %arg4[%add3A_94, %dma_wait3A_118] : memref<8192x1024xf32, #tpu.memory_space<hbm>> -> memref<56x1024xf32, #tpu.memory_space<hbm>>
      %dma_wait3A_120 = arith.constant 0 : i32
      %dma_wait3A_121 = tpu.memref_slice %arg4[%add3A_94, %dma_wait3A_120] : memref<8192x1024xf32, #tpu.memory_space<hbm>> -> memref<56x1024xf32, #tpu.memory_space<hbm>>
      %dma_wait3A_122 = arith.constant 0 : i32
      %dma_wait3A_123 = arith.constant 0 : i32
      %dma_wait3A_124 = tpu.memref_slice %arg7[%dma_wait3A_122, %dma_wait3A_123] : memref<56x1024xf32, #tpu.memory_space<vmem>> -> memref<56x1024xf32, #tpu.memory_space<vmem>>
      tpu.wait_dma2 semaphore(%run_scoped3A : memref<!tpu.dma_semaphore, #tpu.memory_space<semaphore_mem>>) src(%dma_wait3A_124 : memref<56x1024xf32, #tpu.memory_space<vmem>>) dst(%dma_wait3A_121 : memref<56x1024xf32, #tpu.memory_space<hbm>>)
      tpu.yield
    }) : () -> ()
    %dma_wait3A_95 = arith.constant 0 : i32
    %dma_wait3A_96 = arith.constant 0 : i32
    %dma_wait3A_97 = tpu.memref_slice %arg6[%dma_wait3A_95, %dma_wait3A_96] : memref<64x1024xf32, #tpu.memory_space<vmem>> -> memref<16x1024xf32, #tpu.memory_space<vmem>>
    %dma_wait3A_98 = arith.constant 240 : i32
    %dma_wait3A_99 = tpu.memref_slice %arg5[%dma_wait3A_98] : memref<256xi32, #tpu.memory_space<vmem>> -> memref<16xi32, #tpu.memory_space<vmem>>
    %dma_wait3A_100 = arith.constant 0 : i32
    %dma_wait3A_101 = arith.constant 0 : i32
    %dma_wait3A_102 = tpu.memref_slice %arg3[%dma_wait3A_100, %dma_wait3A_101] : memref<8192x1024xf32, #tpu.memory_space<hbm>> -> memref<8192x1024xf32, #tpu.memory_space<hbm>>
    tpu.wait_indirect_dma semaphore(%arg8 : memref<!tpu.dma_semaphore, #tpu.memory_space<semaphore_mem>>) src(%dma_wait3A_102 : memref<8192x1024xf32, #tpu.memory_space<hbm>>) dst(%dma_wait3A_97 : memref<16x1024xf32, #tpu.memory_space<vmem>>)
    %add3A_103 = arith.constant 240 : i32
    %add3A_104 = arith.addi %mul3A_2, %add3A_103 : i32
    "tpu.region"() ({
      %run_scoped3A = tpu.sem_alloc : memref<!tpu.dma_semaphore, #tpu.memory_space<semaphore_mem>>
      %dma_start3A_105 = arith.constant 0 : i32
      %dma_start3A_106 = arith.constant 0 : i32
      %dma_start3A_107 = tpu.memref_slice %arg6[%dma_start3A_105, %dma_start3A_106] : memref<64x1024xf32, #tpu.memory_space<vmem>> -> memref<16x1024xf32, #tpu.memory_space<vmem>>
      %dma_start3A_108 = arith.constant 0 : i32
      %dma_start3A_109 = tpu.memref_slice %arg4[%add3A_104, %dma_start3A_108] : memref<8192x1024xf32, #tpu.memory_space<hbm>> -> memref<16x1024xf32, #tpu.memory_space<hbm>>
      %dma_start3A_110 = arith.constant 0 : i32
      %dma_start3A_111 = tpu.memref_slice %arg4[%add3A_104, %dma_start3A_110] : memref<8192x1024xf32, #tpu.memory_space<hbm>> -> memref<16x1024xf32, #tpu.memory_space<hbm>>
      %dma_start3A_112 = arith.constant 0 : i32
      %dma_start3A_113 = arith.constant 0 : i32
      %dma_start3A_114 = tpu.memref_slice %arg6[%dma_start3A_112, %dma_start3A_113] : memref<64x1024xf32, #tpu.memory_space<vmem>> -> memref<16x1024xf32, #tpu.memory_space<vmem>>
      tpu.enqueue_dma source(%dma_start3A_114 : memref<16x1024xf32, #tpu.memory_space<vmem>>) target(%dma_start3A_111 : memref<16x1024xf32, #tpu.memory_space<hbm>>) target_semaphore(%run_scoped3A : memref<!tpu.dma_semaphore, #tpu.memory_space<semaphore_mem>>)
      %dma_wait3A_115 = arith.constant 0 : i32
      %dma_wait3A_116 = arith.constant 0 : i32
      %dma_wait3A_117 = tpu.memref_slice %arg6[%dma_wait3A_115, %dma_wait3A_116] : memref<64x1024xf32, #tpu.memory_space<vmem>> -> memref<16x1024xf32, #tpu.memory_space<vmem>>
      %dma_wait3A_118 = arith.constant 0 : i32
      %dma_wait3A_119 = tpu.memref_slice %arg4[%add3A_104, %dma_wait3A_118] : memref<8192x1024xf32, #tpu.memory_space<hbm>> -> memref<16x1024xf32, #tpu.memory_space<hbm>>
      %dma_wait3A_120 = arith.constant 0 : i32
      %dma_wait3A_121 = tpu.memref_slice %arg4[%add3A_104, %dma_wait3A_120] : memref<8192x1024xf32, #tpu.memory_space<hbm>> -> memref<16x1024xf32, #tpu.memory_space<hbm>>
      %dma_wait3A_122 = arith.constant 0 : i32
      %dma_wait3A_123 = arith.constant 0 : i32
      %dma_wait3A_124 = tpu.memref_slice %arg6[%dma_wait3A_122, %dma_wait3A_123] : memref<64x1024xf32, #tpu.memory_space<vmem>> -> memref<16x1024xf32, #tpu.memory_space<vmem>>
      tpu.wait_dma2 semaphore(%run_scoped3A : memref<!tpu.dma_semaphore, #tpu.memory_space<semaphore_mem>>) src(%dma_wait3A_124 : memref<16x1024xf32, #tpu.memory_space<vmem>>) dst(%dma_wait3A_121 : memref<16x1024xf32, #tpu.memory_space<hbm>>)
      tpu.yield
    }) : () -> ()
    return
  }
}

</mosaic_0001>

<sc_bundles>
// kernel: kernel.3.cloned.1.call-start
scs
__scs_entry_jumppad:
0x0: {  	(pc) =	sbr.rel $0x88, $3  }
0x1: {  	(tag) =	ssettag $0x0;
	lr =	simm.s32 $0x1  }
0x2: {  	[smem:$0x3F9F] =	sst lr;
	_ =	strace $0xD0000000  }
0x3: {  	_ = 	snop  }
0x4: {  	_ = 	snop  }
0x5: {  	_ = 	snop  }
0x6: {  	_ = 	snop  }
0x7: {  	_ = 	snop  }
__scs_overlays_trampoline_lowered:
0x8: {  	[smem:$0x3FAE] =	sst s0  }
0x9: {  	[smem:$0x3FAF] =	sst s1  }
0xa: {  	[smem:$0x3FB0] =	sst s2  }
0xb: {  	[smem:$0x3FB1] =	sst s3  }
0xc: {  	[smem:$0x3FB2] =	sst s4  }
0xd: {  	[smem:$0x3FB3] =	sst s5  }
0xe: {  	[smem:$0x3FB4] =	sst s6  }
0xf: {  	[smem:$0x3FB5] =	sst s7  }
0x10: {  	[smem:$0x3FB6] =	sst s8  }
0x11: {  	[smem:$0x3FB7] =	sst s9;
	s0 =	simm.s32 @!p0 $0x0  }
0x12: {  	s1 =	sld [smem:$0x3F9D];
	s0 =	simm.s32 @p0 $0x1  }
0x13: {  	[smem:$0x3FB8] =	sst s0;
	s0 =	simm.s32 @!p1 $0x0  }
0x14: {  	s2 =	sld [smem:$0x3F9C];
	s0 =	simm.s32 @p1 $0x1  }
0x15: {  	[smem:$0x3FB9] =	sst s0;
	s0 =	simm.s32 @!p2 $0x0  }
0x16: {  	s3 =	sld [smem:$0x3FDB];
	s0 =	simm.s32 @p2 $0x1  }
0x17: {  	s4 =	simm.s32 $0x1BF5;
	[smem:$0x3FBB] =	sst s0  }
0x18: {  	s0 =	sld [smem:$0x3F9E];
	_ =	swait.ge [sflag:s4], $0x0  }
0x19: {  	s7 =	sld [smem:$0x3F9F]  }
0x1a: {  	s8 =	sadd.s32 $0xFFFFE003, lr  }
0x1b: {  	s9 =	sadd.s32 $0xFFFFFEF7, lr;
	s5 =	simm.s32 $0xFFFFFFFF;
	p2 =	slt.u32 s8, $0xFFFFF086  }
0x1c: {  	p1 =	slt.u32 s9, $0xF7A;
	s5 =	simm.s32 @!p2 $0x0  }
0x1d: {  	s5 =	simm.s32 @p1 $0x1;
	p0 =	seq.s32 s7, s2  }
0x1e: {  	s7 =	smul.u32 @!p0 $0xF7A, s2;
	p2 =	seq.s32 @!p0 s5, $0x0  }
0x1f: {  	s9 =	smul.u32 $0xF7A, s1;
	s8 =	simm.s32 @!p0 $0x1BF5;
	p2 =	por !p2, p0  }
0x20: {  	[sflag:s8] =	ssyncset.s32 @!p0 $0xFFFFF086;
	s6 =	sadd.s32 @!p0 s3, s7;
	s7 =	simm.s32 @!p0 $0x108  }
0x21: {  	s3 =	sadd.s32 s3, s9;
	s6 =	sadd.s32 @!p0 $0x88, s6;
	s7 =	simm.s32 @p2 $0x1082  }
0x22: {  	[simem:s7], [sflag:s8] =	dma.local @!p0 [hbm:s6], $0xF7A  }
0x23: {  	s9 =	sor.u32 $0xD0000000, s2;
	s6 =	simm.s32 $0x108;
	_ =	swait.ge @!p0 [sflag:s8], $0x0  }
0x24: {  	s3 =	sadd.s32 $0x88, s3;
	s6 =	simm.s32 @!p1 $0x1082;
	[sflag:s4] =	ssyncset.s32 $0xFFFFF086  }
0x25: {  	[simem:s6], [sflag:s4] =	dma.local [hbm:s3], $0xF7A  }
0x26: {  	[smem:$0x3F9F] =	sst s1;
	(tag) =	ssettag s2;
	_ =	strace s9  }
0x27: {  	s1 =	sld [smem:$0x3FAF]  }
0x28: {  	s2 =	sld [smem:$0x3FB0]  }
0x29: {  	s4 =	sld [smem:$0x3FB2]  }
0x2a: {  	p0 =	seq.s32 s5, $0x0;
	s5 =	sld [smem:$0x3FB3]  }
0x2b: {  	s6 =	sld [smem:$0x3FB4]  }
0x2c: {  	s7 =	sld [smem:$0x3FB5]  }
0x2d: {  	s3 =	simm.s32 $0x108;
	s8 =	sld [smem:$0x3FB6]  }
0x2e: {  	s3 =	simm.s32 @!p0 $0x1082;
	s9 =	sld [smem:$0x3FB7]  }
0x2f: {  	lr =	sadd.s32 s0, s3;
	s0 =	sld [smem:$0x3FAE]  }
0x30: {  	s3 =	sld [smem:$0x3FB1]  }
0x31: {  	[smem:$0x3FBA] =	sst s10  }
0x32: {  	s10 =	sld [smem:$0x3FB8];
	_ =	sdelay $0x3  }
0x33: {  	p0 =	seq.s32 s10, $0x1;
	s10 =	sld [smem:$0x3FBA];
	_ =	sdelay $0x3  }
0x34: {  	[smem:$0x3FBA] =	sst s10  }
0x35: {  	s10 =	sld [smem:$0x3FB9];
	_ =	sdelay $0x3  }
0x36: {  	p1 =	seq.s32 s10, $0x1;
	s10 =	sld [smem:$0x3FBA];
	_ =	sdelay $0x3  }
0x37: {  	[smem:$0x3FBA] =	sst s10  }
0x38: {  	s10 =	sld [smem:$0x3FBB]  }
0x39: {  	_ = 	snop;
	(pc) =	sbr.ind lr, $3  }
0x3a: {  	_ = 	snop  }
0x3b: {  	_ = 	snop  }
0x3c: {  	p2 =	seq.s32 s10, $0x1;
	s10 =	sld [smem:$0x3FBA]  }
0x3d: {  	_ =	shalt  }
0x3e: {  	_ =	shalt  }
0x3f: {  	_ =	shalt  }
0x40: {  	_ =	shalt  }
0x41: {  	_ =	shalt  }
0x42: {  	_ =	shalt  }
0x43: {  	_ =	shalt  }
0x44: {  	_ =	shalt  }
0x45: {  	_ =	shalt  }
0x46: {  	_ =	shalt  }
0x47: {  	_ =	shalt  }
0x48: {  	_ =	shalt  }
0x49: {  	_ =	shalt  }
0x4a: {  	_ =	shalt  }
0x4b: {  	_ =	shalt  }
0x4c: {  	_ =	shalt  }
0x4d: {  	_ =	shalt  }
0x4e: {  	_ =	shalt  }
0x4f: {  	_ =	shalt  }
0x50: {  	_ =	shalt  }
0x51: {  	_ =	shalt  }
0x52: {  	_ =	shalt  }
0x53: {  	_ =	shalt  }
0x54: {  	_ =	shalt  }
0x55: {  	_ =	shalt  }
0x56: {  	_ =	shalt  }
0x57: {  	_ =	shalt  }
0x58: {  	_ =	shalt  }
0x59: {  	_ =	shalt  }
0x5a: {  	_ =	shalt  }
0x5b: {  	_ =	shalt  }
0x5c: {  	_ =	shalt  }
0x5d: {  	_ =	shalt  }
0x5e: {  	_ =	shalt  }
0x5f: {  	_ =	shalt  }
0x60: {  	_ =	shalt  }
0x61: {  	_ =	shalt  }
0x62: {  	_ =	shalt  }
0x63: {  	_ =	shalt  }
0x64: {  	_ =	shalt  }
0x65: {  	_ =	shalt  }
0x66: {  	_ =	shalt  }
0x67: {  	_ =	shalt  }
0x68: {  	_ =	shalt  }
0x69: {  	_ =	shalt  }
0x6a: {  	_ =	shalt  }
0x6b: {  	_ =	shalt  }
0x6c: {  	_ =	shalt  }
0x6d: {  	_ =	shalt  }
0x6e: {  	_ =	shalt  }
0x6f: {  	_ =	shalt  }
0x70: {  	_ =	shalt  }
0x71: {  	_ =	shalt  }
0x72: {  	_ =	shalt  }
0x73: {  	_ =	shalt  }
0x74: {  	_ =	shalt  }
0x75: {  	_ =	shalt  }
0x76: {  	_ =	shalt  }
0x77: {  	_ =	shalt  }
0x78: {  	_ =	shalt  }
0x79: {  	_ =	shalt  }
0x7a: {  	_ =	shalt  }
0x7b: {  	_ =	shalt  }
0x7c: {  	_ =	shalt  }
0x7d: {  	_ =	shalt  }
0x7e: {  	_ =	shalt  }
0x7f: {  	_ =	shalt  }
0x80: {  	_ =	shalt  }
0x81: {  	_ =	shalt  }
0x82: {  	_ =	shalt  }
0x83: {  	_ =	shalt  }
0x84: {  	_ =	shalt  }
0x85: {  	_ =	shalt  }
0x86: {  	_ =	shalt  }
0x87: {  	_ =	shalt  }
.Lfunc_end0:
.L_simem_size_0:
called_computation_lowered:
.L_overlay_start_0:
0x88: {  	s2 =	sld [smem:$0x3FD9]  }
0x89: {  	s3 =	sld [smem:$0x3FFE];
	_ =	sdelay $0x1  }
0x8a: {  	s1 =	srdreg.scid  }
0x8b: {  	s0 =	sand.u32 $0x1, s1  }
0x8c: {  	s18 =	sshll.u32 s0, $0xA;
	s2 =	sadd.s32 s3, s2  }
0x8d: {  	s2 =	sadd.s32 s2, s18  }
0x8e: {  	[smem:$0x3FC6] =	sst s2  }
0x8f: {  	_ = 	snop  }
0x90: {  	s2 =	sld [smem:$0x3FC9]  }
0x91: {  	s19 =	sld [smem:$0x3FC8]  }
0x92: {  	s4 =	sld [smem:$0x3FD0];
	(tm) =	ssettm $0x1  }
0x93: {  	s5 =	sld [smem:$0x3FFB];
	_ =	sdelay $0x3  }
0x94: {  	_ =	strace s5  }
0x95: {  	s5 =	sld [smem:$0x3FFC];
	_ =	sdelay $0x3  }
0x96: {  	_ =	strace s5  }
0x97: {  	s5 =	sld [smem:$0x3FFD];
	_ =	sdelay $0x3  }
0x98: {  	_ =	strace s5  }
0x99: {  	_ =	strace $0x8FFFFFFF  }
0x9a: {  	s20 =	sld [smem:$0x3FDB];
	_ =	sdelay $0x1  }
0x9b: {  	s6 =	simm.s32 $_scs_section_size  }
0x9c: {  	s7 =	simm.s32 $_size__tile_overlayer_lowered;
	s8 =	simm.s32 $_tile_overlayer_lowered  }
0x9d: {  	s23 =	simm.s32 $0x1BFF;
	s22 =	sshll.u32 s8, $0x1;
	s5 =	sadd.s32 s6, s20  }
0x9e: {  	s9 =	simm.s32 $0x0;
	s21 =	sshll.u32 s7, $0x1;
	s7 =	sadd.s32 s22, s5  }
0x9f: {  	[timem:s9], [sflag:s23] =	dma.local [hbm:s7], s21  }
0xa0: {  	_ =	swait.ge [sflag:s23], s21  }
0xa1: {  	s6 =	ssub.s32 $0x0, s21;
	[sflag:s23] =	ssyncset.done $0x0  }
0xa2: {  	[sflag:s23] =	ssyncadd.s32 s6;
	_ =	sdelay $0x1  }
0xa3: {  	s24 =	simm.s32 $0x1B8B  }
0xa4: {  	_ =	swait.ge [sflag:s24], $0x1  }
0xa5: {  	[sflag:s24] =	ssyncset.done $0x0  }
0xa6: {  	s25 =	simm.s32 $0x1B8E;
	[sflag:s24] =	ssyncadd.s32 $0xFFFFFFFF  }
0xa7: {  	s26 =	simm.s32 $execute0_lowered;
	[smem:$0x3FD2] =	sst s25  }
0xa8: {  	s6 =	sshll.u32 s26, $0x1;
	_ =	strace $0x80000046;
	[dreg:$0x1] =	wrdreg $0xFFFFFFFF  }
0xa9: {  	s28 =	simm.s32 $_size_execute0_lowered;
	s5 =	sadd.s32 s5, s6;
	[dreg:$0x0] =	wrdreg $0x0  }
0xaa: {  	s6 =	sshll.u32 s28, $0x1;
	[dreg:$0x2] =	wrdreg s5  }
0xab: {  	[dreg:$0x3] =	wrdreg s6  }
0xac: {  	[dreg:$0x4] =	wrdreg $0xC0  }
0xad: {  	_ =	task [dreg:s9], $0x5FFFF  }
0xae: {  	[dreg:$0x1] =	wrdreg $0xFFFFFFFF  }
0xaf: {  	[dreg:$0x0] =	wrdreg $0x60  }
0xb0: {  	[dreg:$0x2] =	wrdreg s2  }
0xb1: {  	[dreg:$0x3] =	wrdreg s19  }
0xb2: {  	[dreg:$0x4] =	wrdreg s4  }
0xb3: {  	[dreg:$0x5] =	wrdreg $0x9  }
0xb4: {  	_ =	task.clear_ibuf [dreg:s9], $0x6FFFF;
	_ =	strace $0x90000046  }
0xb5: {  	s29 =	simm.s32 $0x9;
	_ =	strace $0x80000048  }
0xb6: {  	_ =	swait.ge [sflag:s29], $0x1  }
0xb7: {  	[sflag:s29] =	ssyncadd.s32 $0xFFFFFFFF  }
0xb8: {  	_ =	strace $0x90000048  }
0xb9: {  	_ =	sfence  }
0xba: {  	s30 =	sld [smem:$0x0];
	_ =	sdelay $0x2  }
0xbb: {  	s31 =	sshll.u32 s1, $0xD;
	s1 =	sshrl.u32 s1, $0x2  }
0xbc: {  	s3 =	sand.u32 $0x4000, s31;
	s1 =	sadd.s32 s1, s30  }
0xbd: {  	s0 =	sor.u32 s3, s0;
	s1 =	sshll.u32 s1, $0x11  }
0xbe: {  	s0 =	sor.u32 s1, s0  }
0xbf: {  	s0 =	sadd.s32 $0x8F2B, s0  }
0xc0: {  	[sflag:s0] =	ssyncadd.remote.s32 $0x1  }
0xc1: {  	_ =	sfence.sel $0xFFFF  }
0xc2: {  	[dreg:$0x0] =	wrdreg $0xFFFFFFFF;
	(pc) =	sbr.abs _section_cstart, $3  }
0xc3: {  	[dreg:$0x1] =	wrdreg $0xFFFFFFFF  }
0xc4: {  	_ =	task.clear_ibuf [dreg:s9], $0x2FFFF;
	_ =	strace $0x9FFFFFFF  }
0xc5: {  	(tm) =	ssettm $0x7FFFFFFF  }
tec
execute0_lowered:
.L_overlay_start_1:
0x0: {  	(tag) =	ssettag $0x1  }
0x1: {  	s0 =	rddreg [dreg:$0x0]  }
0x2: {  	s2 =	rddreg [dreg:$0x1]  }
0x3: {  	s1 =	rddreg [dreg:$0x2]  }
0x4: {  	s3 =	srdreg.scid;
	s5 =	stileid.u32  }
0x5: {  	s9 =	simm.s32 $0x4;
	s31 =	simm.s32 $0x40;
	s30 =	simm.s32 $0x100  }
0x6: {  	s18 =	simm.s32 $0x4900;
	s11 =	simm.s32 $0x9100;
	s29 =	simm.s32 $0x9900  }
0x7: {  	s10 =	simm.s32 $0xA100;
	s12 =	simm.s32 $0xA900;
	s13 =	simm.s32 $0xB100  }
0x8: {  	s14 =	simm.s32 $0xB900;
	s15 =	simm.s32 $0xC100;
	s16 =	simm.s32 $0xC900  }
0x9: {  	s17 =	simm.s32 $0xD100;
	s28 =	simm.s32 $0xD900;
	s4 =	sand.u32 $0x1, s3  }
0xa: {  	s3 =	simm.s32 $0x0;
	s5 =	sshll.u32 s5, $0x9;
	s6 =	sshll.u32 s4, $0x8  }
0xb: {  	[smem:$0x7FF] =	sst s3;
	s4 =	ssub.s32 $0x2, s4;
	s5 =	sor.u32 s6, s5  }
0xc: {  	_ =	strace $0x80000047;
	s8 =	sshrl.u32 s4, $0x1;
	[dreg:$0xa] =	wrdreg s31  }
0xd: {  	s6 =	sshrl.u32 s5, $0x3;
	s7 =	sor.u32 $0x40, s5;
	s5 =	sshll.u32 s5, $0x7  }
0xe: {  	s23 =	ssub.s32 s4, s8;
	s4 =	simm.s32 $0x6900;
	s6 =	sadd.s32 s0, s6  }
0xf: {  	s19 =	sshrl.u32 s7, $0x3;
	s20 =	sshll.u32 s7, $0x7;
	s21 =	sadd.s32 s1, s5  }
0x10: {  	s5 =	sadd.s32 $0x100, s2;
	s7 =	sadd.s32 $0x300, s2;
	[dreg:$0x4] =	wrdreg s6  }
0x11: {  	s8 =	smax.u32 s23, $0x1;
	s0 =	sadd.s32 s0, s19;
	[dreg:$0xb] =	wrdreg s21  }
0x12: {  	s23 =	simm.s32 $0x7900;
	s22 =	sadd.s32 s1, s20;
	[dreg:$0x5] =	wrdreg s0  }
0x13: {  	s24 =	sadd.s32 $0x3C00, s21;
	s25 =	sadd.s32 $0x5C00, s21;
	[dreg:$0x6] =	wrdreg s22  }
0x14: {  	s6 =	sadd.s32 $0x200, s2;
	s26 =	sadd.s32 $0x7800, s21;
	[dreg:$0x7] =	wrdreg s24  }
0x15: {  	v2 =	vlaneseq.u32;
	s19 =	simm.s32 $0x5100;
	s20 =	simm.s32 $0x5900;
	[dreg:$0x8] =	wrdreg s25  }
0x16: {  	vm0 =	vmmov $0xffff;
	v1 =	vshrl.u32 v2, $0x3;
	s21 =	simm.s32 $0x6100;
	[dreg:$0x9] =	wrdreg s26;
	s26 =	simm.s32 $0x1  }
0x17: {  	v0 =	vand.u32 $0x7, v2;
	v2 =	vor.u32 $0x8, v2;
	v1 =	vmul.u32 $0x8, v1;
	s22 =	simm.s32 $0x7100;
	s24 =	simm.s32 $0x8100;
	s25 =	simm.s32 $0x8900  }
.LBB2_1:
0x18: {  	s31 =	rddreg [dreg:$0x4]  }
0x19: {  	[tilespmem:s3], [sflag:$0x4] =	stream.linear.gather [hbm4b:s31+s3], $0x40, $0x38;
	[tilespmem:$0x1E100] =	vst v63  }
0x1a: {  	_ =	swait.ge [sflag:s9], $0x40  }
0x1b: {  	[sflag:s9] =	ssyncset.done $0x0  }
0x1c: {  	[sflag:s9] =	ssyncadd.s32 $0xFFFFFFC0  }
0x1d: {  	v3 =	vld [tilespmem:$0x0];
	_ =	sdelay $0x4  }
0x1e: {  	v4 =	vshll.u32 v3, $0x3  }
0x1f: {  	v3 =	vand.u32 $0x7, v3;
	v4 =	vand.u32 $0xFFFFFFC0, v4  }
0x20: {  	v3 =	vor.u32 v3, v4  }
0x21: {  	v4 =	vperm.xlane v3, v0;
	_ =	sdelay $0x1  }
0x22: {  	v4 =	vadd.s32 v1, v4;
	_ =	sdelay $0x4  }
0x23: {  	[tilespmem:s30], [sflag:$0x1] =	stream.indirect_vreg.gather [hbm4b:s2+s3], $0x80, v4, vm0, $0xb8;
	[tilespmem:$0x1E100] =	vst v63  }
0x24: {  	s0 =	simm.s32 $0x900;
	v3 =	vperm.xlane v3, v2  }
0x25: {  	[tilespmem:s0], [sflag:$0x1] =	stream.indirect_vreg.gather [hbm4b:s5+s3], $0x80, v4, vm0, $0xb8;
	[tilespmem:$0x1E100] =	vst v63  }
0x26: {  	s31 =	simm.s32 $0x1100;
	v3 =	vadd.s32 v1, v3  }
0x27: {  	[tilespmem:s31], [sflag:$0x1] =	stream.indirect_vreg.gather [hbm4b:s6+s3], $0x80, v4, vm0, $0xb8;
	[tilespmem:$0x1E100] =	vst v63  }
0x28: {  	s1 =	simm.s32 $0x1900  }
0x29: {  	[tilespmem:s1], [sflag:$0x1] =	stream.indirect_vreg.gather [hbm4b:s7+s3], $0x80, v4, vm0, $0xb8;
	[tilespmem:$0x1E100] =	vst v63  }
0x2a: {  	s31 =	simm.s32 $0x2100  }
0x2b: {  	[tilespmem:s31], [sflag:$0x1] =	stream.indirect_vreg.gather [hbm4b:s2+s3], $0x80, v3, vm0, $0xb8;
	[tilespmem:$0x1E100] =	vst v63  }
0x2c: {  	s1 =	simm.s32 $0x2900  }
0x2d: {  	[tilespmem:s1], [sflag:$0x1] =	stream.indirect_vreg.gather [hbm4b:s5+s3], $0x80, v3, vm0, $0xb8;
	[tilespmem:$0x1E100] =	vst v63  }
0x2e: {  	s31 =	simm.s32 $0x3100  }
0x2f: {  	[tilespmem:s31], [sflag:$0x1] =	stream.indirect_vreg.gather [hbm4b:s6+s3], $0x80, v3, vm0, $0xb8;
	[tilespmem:$0x1E100] =	vst v63  }
0x30: {  	s1 =	simm.s32 $0x3900  }
0x31: {  	[tilespmem:s1], [sflag:$0x1] =	stream.indirect_vreg.gather [hbm4b:s7+s3], $0x80, v3, vm0, $0xb8;
	[tilespmem:$0x1E100] =	vst v63  }
0x32: {  	v3 =	vld [tilespmem:$0x10];
	_ =	sdelay $0x4  }
0x33: {  	v48 =	vshll.u32 v3, $0x3  }
0x34: {  	v3 =	vand.u32 $0x7, v3;
	v4 =	vand.u32 $0xFFFFFFC0, v48  }
0x35: {  	v3 =	vor.u32 v3, v4  }
0x36: {  	v4 =	vperm.xlane v3, v0;
	_ =	sdelay $0x1  }
0x37: {  	v4 =	vadd.s32 v1, v4;
	_ =	sdelay $0x3  }
0x38: {  	s31 =	simm.s32 $0x4100  }
0x39: {  	[tilespmem:s31], [sflag:$0x1] =	stream.indirect_vreg.gather [hbm4b:s2+s3], $0x80, v4, vm0, $0xb8;
	[tilespmem:$0x1E100] =	vst v63  }
0x3a: {  	v3 =	vperm.xlane v3, v2  }
0x3b: {  	[tilespmem:s18], [sflag:$0x1] =	stream.indirect_vreg.gather [hbm4b:s5+s3], $0x80, v4, vm0, $0xb8;
	[tilespmem:$0x1E100] =	vst v63  }
0x3c: {  	v3 =	vadd.s32 v1, v3  }
0x3d: {  	[tilespmem:s19], [sflag:$0x1] =	stream.indirect_vreg.gather [hbm4b:s6+s3], $0x80, v4, vm0, $0xb8;
	[tilespmem:$0x1E100] =	vst v63  }
0x3e: {  	_ = 	snop  }
0x3f: {  	[tilespmem:s20], [sflag:$0x1] =	stream.indirect_vreg.gather [hbm4b:s7+s3], $0x80, v4, vm0, $0xb8;
	[tilespmem:$0x1E100] =	vst v63  }
0x40: {  	_ = 	snop  }
0x41: {  	[tilespmem:s21], [sflag:$0x1] =	stream.indirect_vreg.gather [hbm4b:s2+s3], $0x80, v3, vm0, $0xb8;
	[tilespmem:$0x1E100] =	vst v63  }
0x42: {  	_ = 	snop  }
0x43: {  	[tilespmem:s4], [sflag:$0x1] =	stream.indirect_vreg.gather [hbm4b:s5+s3], $0x80, v3, vm0, $0xb8;
	[tilespmem:$0x1E100] =	vst v63  }
0x44: {  	_ = 	snop  }
0x45: {  	[tilespmem:s22], [sflag:$0x1] =	stream.indirect_vreg.gather [hbm4b:s6+s3], $0x80, v3, vm0, $0xb8;
	[tilespmem:$0x1E100] =	vst v63  }
0x46: {  	_ = 	snop  }
0x47: {  	[tilespmem:s23], [sflag:$0x1] =	stream.indirect_vreg.gather [hbm4b:s7+s3], $0x80, v3, vm0, $0xb8;
	[tilespmem:$0x1E100] =	vst v63  }
0x48: {  	v3 =	vld [tilespmem:$0x20];
	_ =	sdelay $0x4  }
0x49: {  	v49 =	vshll.u32 v3, $0x3  }
0x4a: {  	v3 =	vand.u32 $0x7, v3;
	v4 =	vand.u32 $0xFFFFFFC0, v49  }
0x4b: {  	v3 =	vor.u32 v3, v4  }
0x4c: {  	v4 =	vperm.xlane v3, v0;
	_ =	sdelay $0x1  }
0x4d: {  	v4 =	vadd.s32 v1, v4;
	_ =	sdelay $0x4  }
0x4e: {  	[tilespmem:s24], [sflag:$0x1] =	stream.indirect_vreg.gather [hbm4b:s2+s3], $0x80, v4, vm0, $0xb8;
	[tilespmem:$0x1E100] =	vst v63  }
0x4f: {  	v3 =	vperm.xlane v3, v2  }
0x50: {  	[tilespmem:s25], [sflag:$0x1] =	stream.indirect_vreg.gather [hbm4b:s5+s3], $0x80, v4, vm0, $0xb8;
	[tilespmem:$0x1E100] =	vst v63  }
0x51: {  	v3 =	vadd.s32 v1, v3  }
0x52: {  	[tilespmem:s11], [sflag:$0x1] =	stream.indirect_vreg.gather [hbm4b:s6+s3], $0x80, v4, vm0, $0xb8;
	[tilespmem:$0x1E100] =	vst v63  }
0x53: {  	_ = 	snop  }
0x54: {  	[tilespmem:s29], [sflag:$0x1] =	stream.indirect_vreg.gather [hbm4b:s7+s3], $0x80, v4, vm0, $0xb8;
	[tilespmem:$0x1E100] =	vst v63  }
0x55: {  	_ = 	snop  }
0x56: {  	[tilespmem:s10], [sflag:$0x1] =	stream.indirect_vreg.gather [hbm4b:s2+s3], $0x80, v3, vm0, $0xb8;
	[tilespmem:$0x1E100] =	vst v63  }
0x57: {  	_ = 	snop  }
0x58: {  	[tilespmem:s12], [sflag:$0x1] =	stream.indirect_vreg.gather [hbm4b:s5+s3], $0x80, v3, vm0, $0xb8;
	[tilespmem:$0x1E100] =	vst v63  }
0x59: {  	_ = 	snop  }
0x5a: {  	[tilespmem:s13], [sflag:$0x1] =	stream.indirect_vreg.gather [hbm4b:s6+s3], $0x80, v3, vm0, $0xb8;
	[tilespmem:$0x1E100] =	vst v63  }
0x5b: {  	_ = 	snop  }
0x5c: {  	[tilespmem:s14], [sflag:$0x1] =	stream.indirect_vreg.gather [hbm4b:s7+s3], $0x80, v3, vm0, $0xb8;
	[tilespmem:$0x1E100] =	vst v63  }
0x5d: {  	v3 =	vld [tilespmem:$0x30];
	_ =	sdelay $0x4  }
0x5e: {  	v50 =	vshll.u32 v3, $0x3  }
0x5f: {  	v3 =	vand.u32 $0x7, v3;
	v4 =	vand.u32 $0xFFFFFFC0, v50  }
0x60: {  	v3 =	vor.u32 v3, v4  }
0x61: {  	v4 =	vperm.xlane v3, v0;
	_ =	sdelay $0x1  }
0x62: {  	v4 =	vadd.s32 v1, v4;
	_ =	sdelay $0x4  }
0x63: {  	[tilespmem:s15], [sflag:$0x1] =	stream.indirect_vreg.gather [hbm4b:s2+s3], $0x80, v4, vm0, $0xb8;
	[tilespmem:$0x1E100] =	vst v63  }
0x64: {  	v3 =	vperm.xlane v3, v2  }
0x65: {  	[tilespmem:s16], [sflag:$0x1] =	stream.indirect_vreg.gather [hbm4b:s5+s3], $0x80, v4, vm0, $0xb8;
	[tilespmem:$0x1E100] =	vst v63  }
0x66: {  	v3 =	vadd.s32 v1, v3  }
0x67: {  	[tilespmem:s17], [sflag:$0x1] =	stream.indirect_vreg.gather [hbm4b:s6+s3], $0x80, v4, vm0, $0xb8;
	[tilespmem:$0x1E100] =	vst v63  }
0x68: {  	_ = 	snop  }
0x69: {  	[tilespmem:s28], [sflag:$0x1] =	stream.indirect_vreg.gather [hbm4b:s7+s3], $0x80, v4, vm0, $0xb8;
	[tilespmem:$0x1E100] =	vst v63  }
0x6a: {  	s1 =	simm.s32 $0xE100  }
0x6b: {  	[tilespmem:s1], [sflag:$0x1] =	stream.indirect_vreg.gather [hbm4b:s2+s3], $0x80, v3, vm0, $0xb8;
	[tilespmem:$0x1E100] =	vst v63  }
0x6c: {  	s31 =	simm.s32 $0xE900  }
0x6d: {  	[tilespmem:s31], [sflag:$0x1] =	stream.indirect_vreg.gather [hbm4b:s5+s3], $0x80, v3, vm0, $0xb8;
	[tilespmem:$0x1E100] =	vst v63  }
0x6e: {  	s1 =	simm.s32 $0xF100  }
0x6f: {  	[tilespmem:s1], [sflag:$0x1] =	stream.indirect_vreg.gather [hbm4b:s6+s3], $0x80, v3, vm0, $0xb8;
	[tilespmem:$0x1E100] =	vst v63  }
0x70: {  	s0 =	rddreg [dreg:$0xa];
	s1 =	simm.s32 $0xF900  }
0x71: {  	[tilespmem:s1], [sflag:$0x1] =	stream.indirect_vreg.gather [hbm4b:s7+s3], $0x80, v3, vm0, $0xb8;
	[tilespmem:$0x1E100] =	vst v63  }
0x72: {  	s31 =	rddreg [dreg:$0x5]  }
0x73: {  	[tilespmem:s0], [sflag:$0x3] =	stream.linear.gather [hbm4b:s31+s3], $0xC0, $0x38;
	[tilespmem:$0x1E100] =	vst v63  }
0x74: {  	s31 =	simm.s32 $0x3  }
0x75: {  	_ =	swait.ge [sflag:s31], $0xC0  }
0x76: {  	[sflag:s31] =	ssyncset.done $0x0  }
0x77: {  	[sflag:s31] =	ssyncadd.s32 $0xFFFFFF40  }
0x78: {  	v3 =	vld [tilespmem:$0x40];
	_ =	sdelay $0x4  }
0x79: {  	v51 =	vshll.u32 v3, $0x3  }
0x7a: {  	v3 =	vand.u32 $0x7, v3;
	v4 =	vand.u32 $0xFFFFFFC0, v51  }
0x7b: {  	v3 =	vor.u32 v3, v4  }
0x7c: {  	v4 =	vperm.xlane v3, v0;
	_ =	sdelay $0x1  }
0x7d: {  	v4 =	vadd.s32 v1, v4;
	_ =	sdelay $0x3  }
0x7e: {  	s31 =	simm.s32 $0x10100  }
0x7f: {  	[tilespmem:s31], [sflag:$0x2] =	stream.indirect_vreg.gather [hbm4b:s2+s3], $0x80, v4, vm0, $0xb8;
	[tilespmem:$0x1E100] =	vst v63  }
0x80: {  	s0 =	simm.s32 $0x10900;
	v3 =	vperm.xlane v3, v2  }
0x81: {  	[tilespmem:s0], [sflag:$0x2] =	stream.indirect_vreg.gather [hbm4b:s5+s3], $0x80, v4, vm0, $0xb8;
	[tilespmem:$0x1E100] =	vst v63  }
0x82: {  	v3 =	vadd.s32 v1, v3;
	s0 =	simm.s32 $0x11100  }
0x83: {  	[tilespmem:s0], [sflag:$0x2] =	stream.indirect_vreg.gather [hbm4b:s6+s3], $0x80, v4, vm0, $0xb8;
	[tilespmem:$0x1E100] =	vst v63  }
0x84: {  	s0 =	simm.s32 $0x11900  }
0x85: {  	[tilespmem:s0], [sflag:$0x2] =	stream.indirect_vreg.gather [hbm4b:s7+s3], $0x80, v4, vm0, $0xb8;
	[tilespmem:$0x1E100] =	vst v63  }
0x86: {  	s0 =	simm.s32 $0x12100  }
0x87: {  	[tilespmem:s0], [sflag:$0x2] =	stream.indirect_vreg.gather [hbm4b:s2+s3], $0x80, v3, vm0, $0xb8;
	[tilespmem:$0x1E100] =	vst v63  }
0x88: {  	s0 =	simm.s32 $0x12900  }
0x89: {  	[tilespmem:s0], [sflag:$0x2] =	stream.indirect_vreg.gather [hbm4b:s5+s3], $0x80, v3, vm0, $0xb8;
	[tilespmem:$0x1E100] =	vst v63  }
0x8a: {  	s0 =	simm.s32 $0x13100  }
0x8b: {  	[tilespmem:s0], [sflag:$0x2] =	stream.indirect_vreg.gather [hbm4b:s6+s3], $0x80, v3, vm0, $0xb8;
	[tilespmem:$0x1E100] =	vst v63  }
0x8c: {  	s0 =	simm.s32 $0x13900  }
0x8d: {  	[tilespmem:s0], [sflag:$0x2] =	stream.indirect_vreg.gather [hbm4b:s7+s3], $0x80, v3, vm0, $0xb8;
	[tilespmem:$0x1E100] =	vst v63  }
0x8e: {  	v3 =	vld [tilespmem:$0x50];
	_ =	sdelay $0x4  }
0x8f: {  	v52 =	vshll.u32 v3, $0x3  }
0x90: {  	v3 =	vand.u32 $0x7, v3;
	v4 =	vand.u32 $0xFFFFFFC0, v52  }
0x91: {  	v3 =	vor.u32 v3, v4  }
0x92: {  	v4 =	vperm.xlane v3, v0;
	_ =	sdelay $0x1  }
0x93: {  	v4 =	vadd.s32 v1, v4;
	_ =	sdelay $0x3  }
0x94: {  	s0 =	simm.s32 $0x14100  }
0x95: {  	[tilespmem:s0], [sflag:$0x2] =	stream.indirect_vreg.gather [hbm4b:s2+s3], $0x80, v4, vm0, $0xb8;
	[tilespmem:$0x1E100] =	vst v63  }
0x96: {  	v3 =	vperm.xlane v3, v2;
	s0 =	simm.s32 $0x14900  }
0x97: {  	[tilespmem:s0], [sflag:$0x2] =	stream.indirect_vreg.gather [hbm4b:s5+s3], $0x80, v4, vm0, $0xb8;
	[tilespmem:$0x1E100] =	vst v63  }
0x98: {  	v3 =	vadd.s32 v1, v3;
	s0 =	simm.s32 $0x15100  }
0x99: {  	[tilespmem:s0], [sflag:$0x2] =	stream.indirect_vreg.gather [hbm4b:s6+s3], $0x80, v4, vm0, $0xb8;
	[tilespmem:$0x1E100] =	vst v63  }
0x9a: {  	s0 =	simm.s32 $0x15900  }
0x9b: {  	[tilespmem:s0], [sflag:$0x2] =	stream.indirect_vreg.gather [hbm4b:s7+s3], $0x80, v4, vm0, $0xb8;
	[tilespmem:$0x1E100] =	vst v63  }
0x9c: {  	s0 =	simm.s32 $0x16100  }
0x9d: {  	[tilespmem:s0], [sflag:$0x2] =	stream.indirect_vreg.gather [hbm4b:s2+s3], $0x80, v3, vm0, $0xb8;
	[tilespmem:$0x1E100] =	vst v63  }
0x9e: {  	s0 =	simm.s32 $0x16900  }
0x9f: {  	[tilespmem:s0], [sflag:$0x2] =	stream.indirect_vreg.gather [hbm4b:s5+s3], $0x80, v3, vm0, $0xb8;
	[tilespmem:$0x1E100] =	vst v63  }
0xa0: {  	s0 =	simm.s32 $0x17100  }
0xa1: {  	[tilespmem:s0], [sflag:$0x2] =	stream.indirect_vreg.gather [hbm4b:s6+s3], $0x80, v3, vm0, $0xb8;
	[tilespmem:$0x1E100] =	vst v63  }
0xa2: {  	s0 =	simm.s32 $0x17900  }
0xa3: {  	[tilespmem:s0], [sflag:$0x2] =	stream.indirect_vreg.gather [hbm4b:s7+s3], $0x80, v3, vm0, $0xb8;
	[tilespmem:$0x1E100] =	vst v63  }
0xa4: {  	v3 =	vld [tilespmem:$0x60];
	_ =	sdelay $0x4  }
0xa5: {  	v53 =	vshll.u32 v3, $0x3  }
0xa6: {  	v3 =	vand.u32 $0x7, v3;
	v4 =	vand.u32 $0xFFFFFFC0, v53  }
0xa7: {  	v3 =	vor.u32 v3, v4  }
0xa8: {  	v4 =	vperm.xlane v3, v0;
	_ =	sdelay $0x1  }
0xa9: {  	v4 =	vadd.s32 v1, v4;
	_ =	sdelay $0x3  }
0xaa: {  	s0 =	simm.s32 $0x18100  }
0xab: {  	[tilespmem:s0], [sflag:$0x2] =	stream.indirect_vreg.gather [hbm4b:s2+s3], $0x80, v4, vm0, $0xb8;
	[tilespmem:$0x1E100] =	vst v63  }
0xac: {  	v3 =	vperm.xlane v3, v2;
	s0 =	simm.s32 $0x18900  }
0xad: {  	[tilespmem:s0], [sflag:$0x2] =	stream.indirect_vreg.gather [hbm4b:s5+s3], $0x80, v4, vm0, $0xb8;
	[tilespmem:$0x1E100] =	vst v63  }
0xae: {  	v3 =	vadd.s32 v1, v3;
	s0 =	simm.s32 $0x19100  }
0xaf: {  	[tilespmem:s0], [sflag:$0x2] =	stream.indirect_vreg.gather [hbm4b:s6+s3], $0x80, v4, vm0, $0xb8;
	[tilespmem:$0x1E100] =	vst v63  }
0xb0: {  	s0 =	simm.s32 $0x19900  }
0xb1: {  	[tilespmem:s0], [sflag:$0x2] =	stream.indirect_vreg.gather [hbm4b:s7+s3], $0x80, v4, vm0, $0xb8;
	[tilespmem:$0x1E100] =	vst v63  }
0xb2: {  	s0 =	simm.s32 $0x1A100  }
0xb3: {  	[tilespmem:s0], [sflag:$0x2] =	stream.indirect_vreg.gather [hbm4b:s2+s3], $0x80, v3, vm0, $0xb8;
	[tilespmem:$0x1E100] =	vst v63  }
0xb4: {  	s0 =	simm.s32 $0x1A900  }
0xb5: {  	[tilespmem:s0], [sflag:$0x2] =	stream.indirect_vreg.gather [hbm4b:s5+s3], $0x80, v3, vm0, $0xb8;
	[tilespmem:$0x1E100] =	vst v63  }
0xb6: {  	s0 =	simm.s32 $0x1B100  }
0xb7: {  	[tilespmem:s0], [sflag:$0x2] =	stream.indirect_vreg.gather [hbm4b:s6+s3], $0x80, v3, vm0, $0xb8;
	[tilespmem:$0x1E100] =	vst v63  }
0xb8: {  	s0 =	simm.s32 $0x1B900  }
0xb9: {  	[tilespmem:s0], [sflag:$0x2] =	stream.indirect_vreg.gather [hbm4b:s7+s3], $0x80, v3, vm0, $0xb8;
	[tilespmem:$0x1E100] =	vst v63  }
0xba: {  	v3 =	vld.msk [tilespmem:$0x70], $0xff;
	_ =	sdelay $0x4  }
0xbb: {  	v54 =	vshll.u32 v3, $0x3  }
0xbc: {  	v3 =	vand.u32 $0x7, v3;
	v4 =	vand.u32 $0xFFFFFFC0, v54  }
0xbd: {  	v3 =	vor.u32 v3, v4  }
0xbe: {  	v3 =	vperm.xlane v3, v0;
	_ =	sdelay $0x1  }
0xbf: {  	v3 =	vadd.s32 v1, v3;
	_ =	sdelay $0x3  }
0xc0: {  	s0 =	simm.s32 $0x1C100  }
0xc1: {  	[tilespmem:s0], [sflag:$0x2] =	stream.indirect_vreg.gather [hbm4b:s2+s3], $0x80, v3, vm0, $0xb8;
	[tilespmem:$0x1E100] =	vst v63  }
0xc2: {  	s0 =	simm.s32 $0x1C900  }
0xc3: {  	[tilespmem:s0], [sflag:$0x2] =	stream.indirect_vreg.gather [hbm4b:s5+s3], $0x80, v3, vm0, $0xb8;
	[tilespmem:$0x1E100] =	vst v63  }
0xc4: {  	s0 =	simm.s32 $0x1D100  }
0xc5: {  	[tilespmem:s0], [sflag:$0x2] =	stream.indirect_vreg.gather [hbm4b:s6+s3], $0x80, v3, vm0, $0xb8;
	[tilespmem:$0x1E100] =	vst v63  }
0xc6: {  	s0 =	simm.s32 $0x1D900  }
0xc7: {  	[tilespmem:s0], [sflag:$0x2] =	stream.indirect_vreg.gather [hbm4b:s7+s3], $0x80, v3, vm0, $0xb8;
	[tilespmem:$0x1E100] =	vst v63  }
0xc8: {  	_ =	swait.ge [sflag:s26], $0x10000  }
0xc9: {  	[sflag:s26] =	ssyncset.done $0x0  }
0xca: {  	s0 =	rddreg [dreg:$0xb];
	[sflag:s26] =	ssyncadd.s32 $0xFFFF0000  }
0xcb: {  	[hbm4b:s0+s3] =	stream.linear.scatter [tilespmem:s30], [sflag:$0x4], $0x10000, $0x38;
	[tilespmem:$0x1E100] =	vst v63  }
0xcc: {  	_ =	swait.ge [sflag:s9], $0x10000  }
0xcd: {  	[sflag:s9] =	ssyncset.done $0x0  }
0xce: {  	[sflag:s9] =	ssyncadd.s32 $0xFFFF0000  }
0xcf: {  	v3 =	vld [tilespmem:$0x78];
	_ =	sdelay $0x4  }
0xd0: {  	v55 =	vshll.u32 v3, $0x3  }
0xd1: {  	v3 =	vand.u32 $0x7, v3;
	v4 =	vand.u32 $0xFFFFFFC0, v55  }
0xd2: {  	v3 =	vor.u32 v3, v4  }
0xd3: {  	v4 =	vperm.xlane v3, v0;
	_ =	sdelay $0x1  }
0xd4: {  	v4 =	vadd.s32 v1, v4;
	_ =	sdelay $0x4  }
0xd5: {  	[tilespmem:s30], [sflag:$0x1] =	stream.indirect_vreg.gather [hbm4b:s2+s3], $0x80, v4, vm0, $0xb8;
	[tilespmem:$0x1E100] =	vst v63  }
0xd6: {  	s0 =	simm.s32 $0x900;
	v3 =	vperm.xlane v3, v2  }
0xd7: {  	[tilespmem:s0], [sflag:$0x1] =	stream.indirect_vreg.gather [hbm4b:s5+s3], $0x80, v4, vm0, $0xb8;
	[tilespmem:$0x1E100] =	vst v63  }
0xd8: {  	v3 =	vadd.s32 v1, v3;
	s0 =	simm.s32 $0x1100  }
0xd9: {  	[tilespmem:s0], [sflag:$0x1] =	stream.indirect_vreg.gather [hbm4b:s6+s3], $0x80, v4, vm0, $0xb8;
	[tilespmem:$0x1E100] =	vst v63  }
0xda: {  	s0 =	simm.s32 $0x1900  }
0xdb: {  	[tilespmem:s0], [sflag:$0x1] =	stream.indirect_vreg.gather [hbm4b:s7+s3], $0x80, v4, vm0, $0xb8;
	[tilespmem:$0x1E100] =	vst v63  }
0xdc: {  	s0 =	simm.s32 $0x2100  }
0xdd: {  	[tilespmem:s0], [sflag:$0x1] =	stream.indirect_vreg.gather [hbm4b:s2+s3], $0x80, v3, vm0, $0xb8;
	[tilespmem:$0x1E100] =	vst v63  }
0xde: {  	s0 =	simm.s32 $0x2900  }
0xdf: {  	[tilespmem:s0], [sflag:$0x1] =	stream.indirect_vreg.gather [hbm4b:s5+s3], $0x80, v3, vm0, $0xb8;
	[tilespmem:$0x1E100] =	vst v63  }
0xe0: {  	s0 =	simm.s32 $0x3100  }
0xe1: {  	[tilespmem:s0], [sflag:$0x1] =	stream.indirect_vreg.gather [hbm4b:s6+s3], $0x80, v3, vm0, $0xb8;
	[tilespmem:$0x1E100] =	vst v63  }
0xe2: {  	s0 =	simm.s32 $0x3900  }
0xe3: {  	[tilespmem:s0], [sflag:$0x1] =	stream.indirect_vreg.gather [hbm4b:s7+s3], $0x80, v3, vm0, $0xb8;
	[tilespmem:$0x1E100] =	vst v63  }
0xe4: {  	v3 =	vld [tilespmem:$0x88];
	_ =	sdelay $0x4  }
0xe5: {  	v56 =	vshll.u32 v3, $0x3  }
0xe6: {  	v3 =	vand.u32 $0x7, v3;
	v4 =	vand.u32 $0xFFFFFFC0, v56  }
0xe7: {  	v3 =	vor.u32 v3, v4  }
0xe8: {  	v4 =	vperm.xlane v3, v0;
	_ =	sdelay $0x1  }
0xe9: {  	v4 =	vadd.s32 v1, v4;
	_ =	sdelay $0x3  }
0xea: {  	s0 =	simm.s32 $0x4100  }
0xeb: {  	[tilespmem:s0], [sflag:$0x1] =	stream.indirect_vreg.gather [hbm4b:s2+s3], $0x80, v4, vm0, $0xb8;
	[tilespmem:$0x1E100] =	vst v63  }
0xec: {  	v3 =	vperm.xlane v3, v2  }
0xed: {  	[tilespmem:s18], [sflag:$0x1] =	stream.indirect_vreg.gather [hbm4b:s5+s3], $0x80, v4, vm0, $0xb8;
	[tilespmem:$0x1E100] =	vst v63  }
0xee: {  	v3 =	vadd.s32 v1, v3  }
0xef: {  	[tilespmem:s19], [sflag:$0x1] =	stream.indirect_vreg.gather [hbm4b:s6+s3], $0x80, v4, vm0, $0xb8;
	[tilespmem:$0x1E100] =	vst v63  }
0xf0: {  	_ = 	snop  }
0xf1: {  	[tilespmem:s20], [sflag:$0x1] =	stream.indirect_vreg.gather [hbm4b:s7+s3], $0x80, v4, vm0, $0xb8;
	[tilespmem:$0x1E100] =	vst v63  }
0xf2: {  	_ = 	snop  }
0xf3: {  	[tilespmem:s21], [sflag:$0x1] =	stream.indirect_vreg.gather [hbm4b:s2+s3], $0x80, v3, vm0, $0xb8;
	[tilespmem:$0x1E100] =	vst v63  }
0xf4: {  	_ = 	snop  }
0xf5: {  	[tilespmem:s4], [sflag:$0x1] =	stream.indirect_vreg.gather [hbm4b:s5+s3], $0x80, v3, vm0, $0xb8;
	[tilespmem:$0x1E100] =	vst v63  }
0xf6: {  	_ = 	snop  }
0xf7: {  	[tilespmem:s22], [sflag:$0x1] =	stream.indirect_vreg.gather [hbm4b:s6+s3], $0x80, v3, vm0, $0xb8;
	[tilespmem:$0x1E100] =	vst v63  }
0xf8: {  	_ = 	snop  }
0xf9: {  	[tilespmem:s23], [sflag:$0x1] =	stream.indirect_vreg.gather [hbm4b:s7+s3], $0x80, v3, vm0, $0xb8;
	[tilespmem:$0x1E100] =	vst v63  }
0xfa: {  	v3 =	vld [tilespmem:$0x98];
	_ =	sdelay $0x4  }
0xfb: {  	v57 =	vshll.u32 v3, $0x3  }
0xfc: {  	v3 =	vand.u32 $0x7, v3;
	v4 =	vand.u32 $0xFFFFFFC0, v57  }
0xfd: {  	v3 =	vor.u32 v3, v4  }
0xfe: {  	v4 =	vperm.xlane v3, v0;
	_ =	sdelay $0x1  }
0xff: {  	v4 =	vadd.s32 v1, v4;
	_ =	sdelay $0x4  }
0x100: {  	[tilespmem:s24], [sflag:$0x1] =	stream.indirect_vreg.gather [hbm4b:s2+s3], $0x80, v4, vm0, $0xb8;
	[tilespmem:$0x1E100] =	vst v63  }
0x101: {  	v3 =	vperm.xlane v3, v2  }
0x102: {  	[tilespmem:s25], [sflag:$0x1] =	stream.indirect_vreg.gather [hbm4b:s5+s3], $0x80, v4, vm0, $0xb8;
	[tilespmem:$0x1E100] =	vst v63  }
0x103: {  	v3 =	vadd.s32 v1, v3  }
0x104: {  	[tilespmem:s11], [sflag:$0x1] =	stream.indirect_vreg.gather [hbm4b:s6+s3], $0x80, v4, vm0, $0xb8;
	[tilespmem:$0x1E100] =	vst v63  }
0x105: {  	_ = 	snop  }
0x106: {  	[tilespmem:s29], [sflag:$0x1] =	stream.indirect_vreg.gather [hbm4b:s7+s3], $0x80, v4, vm0, $0xb8;
	[tilespmem:$0x1E100] =	vst v63  }
0x107: {  	_ = 	snop  }
0x108: {  	[tilespmem:s10], [sflag:$0x1] =	stream.indirect_vreg.gather [hbm4b:s2+s3], $0x80, v3, vm0, $0xb8;
	[tilespmem:$0x1E100] =	vst v63  }
0x109: {  	_ = 	snop  }
0x10a: {  	[tilespmem:s12], [sflag:$0x1] =	stream.indirect_vreg.gather [hbm4b:s5+s3], $0x80, v3, vm0, $0xb8;
	[tilespmem:$0x1E100] =	vst v63  }
0x10b: {  	_ = 	snop  }
0x10c: {  	[tilespmem:s13], [sflag:$0x1] =	stream.indirect_vreg.gather [hbm4b:s6+s3], $0x80, v3, vm0, $0xb8;
	[tilespmem:$0x1E100] =	vst v63  }
0x10d: {  	_ = 	snop  }
0x10e: {  	[tilespmem:s14], [sflag:$0x1] =	stream.indirect_vreg.gather [hbm4b:s7+s3], $0x80, v3, vm0, $0xb8;
	[tilespmem:$0x1E100] =	vst v63  }
0x10f: {  	v3 =	vld [tilespmem:$0xA8];
	_ =	sdelay $0x4  }
0x110: {  	v58 =	vshll.u32 v3, $0x3  }
0x111: {  	v3 =	vand.u32 $0x7, v3;
	v4 =	vand.u32 $0xFFFFFFC0, v58  }
0x112: {  	v3 =	vor.u32 v3, v4  }
0x113: {  	v4 =	vperm.xlane v3, v0;
	_ =	sdelay $0x1  }
0x114: {  	v4 =	vadd.s32 v1, v4;
	_ =	sdelay $0x4  }
0x115: {  	[tilespmem:s15], [sflag:$0x1] =	stream.indirect_vreg.gather [hbm4b:s2+s3], $0x80, v4, vm0, $0xb8;
	[tilespmem:$0x1E100] =	vst v63  }
0x116: {  	v3 =	vperm.xlane v3, v2  }
0x117: {  	[tilespmem:s16], [sflag:$0x1] =	stream.indirect_vreg.gather [hbm4b:s5+s3], $0x80, v4, vm0, $0xb8;
	[tilespmem:$0x1E100] =	vst v63  }
0x118: {  	v3 =	vadd.s32 v1, v3  }
0x119: {  	[tilespmem:s17], [sflag:$0x1] =	stream.indirect_vreg.gather [hbm4b:s6+s3], $0x80, v4, vm0, $0xb8;
	[tilespmem:$0x1E100] =	vst v63  }
0x11a: {  	_ = 	snop  }
0x11b: {  	[tilespmem:s28], [sflag:$0x1] =	stream.indirect_vreg.gather [hbm4b:s7+s3], $0x80, v4, vm0, $0xb8;
	[tilespmem:$0x1E100] =	vst v63  }
0x11c: {  	s0 =	simm.s32 $0xE100  }
0x11d: {  	[tilespmem:s0], [sflag:$0x1] =	stream.indirect_vreg.gather [hbm4b:s2+s3], $0x80, v3, vm0, $0xb8;
	[tilespmem:$0x1E100] =	vst v63  }
0x11e: {  	s0 =	simm.s32 $0xE900  }
0x11f: {  	[tilespmem:s0], [sflag:$0x1] =	stream.indirect_vreg.gather [hbm4b:s5+s3], $0x80, v3, vm0, $0xb8;
	[tilespmem:$0x1E100] =	vst v63  }
0x120: {  	s0 =	simm.s32 $0xF100  }
0x121: {  	[tilespmem:s0], [sflag:$0x1] =	stream.indirect_vreg.gather [hbm4b:s6+s3], $0x80, v3, vm0, $0xb8;
	[tilespmem:$0x1E100] =	vst v63  }
0x122: {  	_ = 	snop  }
0x123: {  	[tilespmem:s1], [sflag:$0x1] =	stream.indirect_vreg.gather [hbm4b:s7+s3], $0x80, v3, vm0, $0xb8;
	[tilespmem:$0x1E100] =	vst v63  }
0x124: {  	s1 =	simm.s32 $0x2  }
0x125: {  	_ =	swait.ge [sflag:s1], $0xE000  }
0x126: {  	[sflag:s1] =	ssyncset.done $0x0  }
0x127: {  	s0 =	rddreg [dreg:$0x6];
	[sflag:s1] =	ssyncadd.s32 $0xFFFF2000  }
0x128: {  	[hbm4b:s0+s3] =	stream.linear.scatter [tilespmem:s31], [sflag:$0x4], $0xE000, $0x38;
	[tilespmem:$0x1E100] =	vst v63  }
0x129: {  	_ =	swait.ge [sflag:s9], $0xE000  }
0x12a: {  	[sflag:s9] =	ssyncset.done $0x0  }
0x12b: {  	[sflag:s9] =	ssyncadd.s32 $0xFFFF2000  }
0x12c: {  	v3 =	vld [tilespmem:$0xB8];
	_ =	sdelay $0x4  }
0x12d: {  	v59 =	vshll.u32 v3, $0x3  }
0x12e: {  	v3 =	vand.u32 $0x7, v3;
	v4 =	vand.u32 $0xFFFFFFC0, v59  }
0x12f: {  	v3 =	vor.u32 v3, v4  }
0x130: {  	v4 =	vperm.xlane v3, v0;
	_ =	sdelay $0x1  }
0x131: {  	v4 =	vadd.s32 v1, v4;
	_ =	sdelay $0x4  }
0x132: {  	[tilespmem:s31], [sflag:$0x2] =	stream.indirect_vreg.gather [hbm4b:s2+s3], $0x80, v4, vm0, $0xb8;
	[tilespmem:$0x1E100] =	vst v63  }
0x133: {  	s0 =	simm.s32 $0x10900;
	v3 =	vperm.xlane v3, v2  }
0x134: {  	[tilespmem:s0], [sflag:$0x2] =	stream.indirect_vreg.gather [hbm4b:s5+s3], $0x80, v4, vm0, $0xb8;
	[tilespmem:$0x1E100] =	vst v63  }
0x135: {  	v3 =	vadd.s32 v1, v3;
	s0 =	simm.s32 $0x11100  }
0x136: {  	[tilespmem:s0], [sflag:$0x2] =	stream.indirect_vreg.gather [hbm4b:s6+s3], $0x80, v4, vm0, $0xb8;
	[tilespmem:$0x1E100] =	vst v63  }
0x137: {  	s0 =	simm.s32 $0x11900  }
0x138: {  	[tilespmem:s0], [sflag:$0x2] =	stream.indirect_vreg.gather [hbm4b:s7+s3], $0x80, v4, vm0, $0xb8;
	[tilespmem:$0x1E100] =	vst v63  }
0x139: {  	s0 =	simm.s32 $0x12100  }
0x13a: {  	[tilespmem:s0], [sflag:$0x2] =	stream.indirect_vreg.gather [hbm4b:s2+s3], $0x80, v3, vm0, $0xb8;
	[tilespmem:$0x1E100] =	vst v63  }
0x13b: {  	s0 =	simm.s32 $0x12900  }
0x13c: {  	[tilespmem:s0], [sflag:$0x2] =	stream.indirect_vreg.gather [hbm4b:s5+s3], $0x80, v3, vm0, $0xb8;
	[tilespmem:$0x1E100] =	vst v63  }
0x13d: {  	s0 =	simm.s32 $0x13100  }
0x13e: {  	[tilespmem:s0], [sflag:$0x2] =	stream.indirect_vreg.gather [hbm4b:s6+s3], $0x80, v3, vm0, $0xb8;
	[tilespmem:$0x1E100] =	vst v63  }
0x13f: {  	s0 =	simm.s32 $0x13900  }
0x140: {  	[tilespmem:s0], [sflag:$0x2] =	stream.indirect_vreg.gather [hbm4b:s7+s3], $0x80, v3, vm0, $0xb8;
	[tilespmem:$0x1E100] =	vst v63  }
0x141: {  	v3 =	vld [tilespmem:$0xC8];
	_ =	sdelay $0x4  }
0x142: {  	v60 =	vshll.u32 v3, $0x3  }
0x143: {  	v3 =	vand.u32 $0x7, v3;
	v4 =	vand.u32 $0xFFFFFFC0, v60  }
0x144: {  	v3 =	vor.u32 v3, v4  }
0x145: {  	v4 =	vperm.xlane v3, v0;
	_ =	sdelay $0x1  }
0x146: {  	v4 =	vadd.s32 v1, v4;
	_ =	sdelay $0x3  }
0x147: {  	s0 =	simm.s32 $0x14100  }
0x148: {  	[tilespmem:s0], [sflag:$0x2] =	stream.indirect_vreg.gather [hbm4b:s2+s3], $0x80, v4, vm0, $0xb8;
	[tilespmem:$0x1E100] =	vst v63  }
0x149: {  	v3 =	vperm.xlane v3, v2;
	s0 =	simm.s32 $0x14900  }
0x14a: {  	[tilespmem:s0], [sflag:$0x2] =	stream.indirect_vreg.gather [hbm4b:s5+s3], $0x80, v4, vm0, $0xb8;
	[tilespmem:$0x1E100] =	vst v63  }
0x14b: {  	v3 =	vadd.s32 v1, v3;
	s0 =	simm.s32 $0x15100  }
0x14c: {  	[tilespmem:s0], [sflag:$0x2] =	stream.indirect_vreg.gather [hbm4b:s6+s3], $0x80, v4, vm0, $0xb8;
	[tilespmem:$0x1E100] =	vst v63  }
0x14d: {  	s0 =	simm.s32 $0x15900  }
0x14e: {  	[tilespmem:s0], [sflag:$0x2] =	stream.indirect_vreg.gather [hbm4b:s7+s3], $0x80, v4, vm0, $0xb8;
	[tilespmem:$0x1E100] =	vst v63  }
0x14f: {  	s0 =	simm.s32 $0x16100  }
0x150: {  	[tilespmem:s0], [sflag:$0x2] =	stream.indirect_vreg.gather [hbm4b:s2+s3], $0x80, v3, vm0, $0xb8;
	[tilespmem:$0x1E100] =	vst v63  }
0x151: {  	s0 =	simm.s32 $0x16900  }
0x152: {  	[tilespmem:s0], [sflag:$0x2] =	stream.indirect_vreg.gather [hbm4b:s5+s3], $0x80, v3, vm0, $0xb8;
	[tilespmem:$0x1E100] =	vst v63  }
0x153: {  	s0 =	simm.s32 $0x17100  }
0x154: {  	[tilespmem:s0], [sflag:$0x2] =	stream.indirect_vreg.gather [hbm4b:s6+s3], $0x80, v3, vm0, $0xb8;
	[tilespmem:$0x1E100] =	vst v63  }
0x155: {  	s0 =	simm.s32 $0x17900  }
0x156: {  	[tilespmem:s0], [sflag:$0x2] =	stream.indirect_vreg.gather [hbm4b:s7+s3], $0x80, v3, vm0, $0xb8;
	[tilespmem:$0x1E100] =	vst v63  }
0x157: {  	v3 =	vld [tilespmem:$0xD8];
	_ =	sdelay $0x4  }
0x158: {  	v61 =	vshll.u32 v3, $0x3  }
0x159: {  	v3 =	vand.u32 $0x7, v3;
	v4 =	vand.u32 $0xFFFFFFC0, v61  }
0x15a: {  	v3 =	vor.u32 v3, v4  }
0x15b: {  	v4 =	vperm.xlane v3, v0;
	_ =	sdelay $0x1  }
0x15c: {  	v4 =	vadd.s32 v1, v4;
	_ =	sdelay $0x3  }
0x15d: {  	s0 =	simm.s32 $0x18100  }
0x15e: {  	[tilespmem:s0], [sflag:$0x2] =	stream.indirect_vreg.gather [hbm4b:s2+s3], $0x80, v4, vm0, $0xb8;
	[tilespmem:$0x1E100] =	vst v63  }
0x15f: {  	v3 =	vperm.xlane v3, v2;
	s0 =	simm.s32 $0x18900  }
0x160: {  	[tilespmem:s0], [sflag:$0x2] =	stream.indirect_vreg.gather [hbm4b:s5+s3], $0x80, v4, vm0, $0xb8;
	[tilespmem:$0x1E100] =	vst v63  }
0x161: {  	v3 =	vadd.s32 v1, v3;
	s0 =	simm.s32 $0x19100  }
0x162: {  	[tilespmem:s0], [sflag:$0x2] =	stream.indirect_vreg.gather [hbm4b:s6+s3], $0x80, v4, vm0, $0xb8;
	[tilespmem:$0x1E100] =	vst v63  }
0x163: {  	s0 =	simm.s32 $0x19900  }
0x164: {  	[tilespmem:s0], [sflag:$0x2] =	stream.indirect_vreg.gather [hbm4b:s7+s3], $0x80, v4, vm0, $0xb8;
	[tilespmem:$0x1E100] =	vst v63  }
0x165: {  	s0 =	simm.s32 $0x1A100  }
0x166: {  	[tilespmem:s0], [sflag:$0x2] =	stream.indirect_vreg.gather [hbm4b:s2+s3], $0x80, v3, vm0, $0xb8;
	[tilespmem:$0x1E100] =	vst v63  }
0x167: {  	s0 =	simm.s32 $0x1A900  }
0x168: {  	[tilespmem:s0], [sflag:$0x2] =	stream.indirect_vreg.gather [hbm4b:s5+s3], $0x80, v3, vm0, $0xb8;
	[tilespmem:$0x1E100] =	vst v63  }
0x169: {  	s0 =	simm.s32 $0x1B100  }
0x16a: {  	[tilespmem:s0], [sflag:$0x2] =	stream.indirect_vreg.gather [hbm4b:s6+s3], $0x80, v3, vm0, $0xb8;
	[tilespmem:$0x1E100] =	vst v63  }
0x16b: {  	s0 =	simm.s32 $0x1B900  }
0x16c: {  	[tilespmem:s0], [sflag:$0x2] =	stream.indirect_vreg.gather [hbm4b:s7+s3], $0x80, v3, vm0, $0xb8;
	[tilespmem:$0x1E100] =	vst v63  }
0x16d: {  	v3 =	vld.msk [tilespmem:$0xE8], $0xff;
	_ =	sdelay $0x4  }
0x16e: {  	v62 =	vshll.u32 v3, $0x3  }
0x16f: {  	v3 =	vand.u32 $0x7, v3;
	v4 =	vand.u32 $0xFFFFFFC0, v62  }
0x170: {  	v3 =	vor.u32 v3, v4  }
0x171: {  	v3 =	vperm.xlane v3, v0;
	_ =	sdelay $0x1  }
0x172: {  	v3 =	vadd.s32 v1, v3;
	_ =	sdelay $0x3  }
0x173: {  	s0 =	simm.s32 $0x1C100  }
0x174: {  	[tilespmem:s0], [sflag:$0x2] =	stream.indirect_vreg.gather [hbm4b:s2+s3], $0x80, v3, vm0, $0xb8;
	[tilespmem:$0x1E100] =	vst v63  }
0x175: {  	s0 =	simm.s32 $0x1C900  }
0x176: {  	[tilespmem:s0], [sflag:$0x2] =	stream.indirect_vreg.gather [hbm4b:s5+s3], $0x80, v3, vm0, $0xb8;
	[tilespmem:$0x1E100] =	vst v63  }
0x177: {  	s0 =	simm.s32 $0x1D100  }
0x178: {  	[tilespmem:s0], [sflag:$0x2] =	stream.indirect_vreg.gather [hbm4b:s6+s3], $0x80, v3, vm0, $0xb8;
	[tilespmem:$0x1E100] =	vst v63  }
0x179: {  	s0 =	simm.s32 $0x1D900  }
0x17a: {  	[tilespmem:s0], [sflag:$0x2] =	stream.indirect_vreg.gather [hbm4b:s7+s3], $0x80, v3, vm0, $0xb8;
	[tilespmem:$0x1E100] =	vst v63  }
0x17b: {  	_ =	swait.ge [sflag:s26], $0x10000  }
0x17c: {  	[sflag:s26] =	ssyncset.done $0x0  }
0x17d: {  	s0 =	rddreg [dreg:$0x7];
	[sflag:s26] =	ssyncadd.s32 $0xFFFF0000  }
0x17e: {  	[hbm4b:s0+s3] =	stream.linear.scatter [tilespmem:s30], [sflag:$0x4], $0x10000, $0x38;
	[tilespmem:$0x1E100] =	vst v63  }
0x17f: {  	_ =	swait.ge [sflag:s9], $0x10000  }
0x180: {  	[sflag:s9] =	ssyncset.done $0x0  }
0x181: {  	[sflag:s9] =	ssyncadd.s32 $0xFFFF0000  }
0x182: {  	v3 =	vld [tilespmem:$0xF0];
	_ =	sdelay $0x4  }
0x183: {  	v63 =	vshll.u32 v3, $0x3  }
0x184: {  	v3 =	vand.u32 $0x7, v3;
	v4 =	vand.u32 $0xFFFFFFC0, v63  }
0x185: {  	v3 =	vor.u32 v3, v4  }
0x186: {  	v4 =	vperm.xlane v3, v0;
	_ =	sdelay $0x1  }
0x187: {  	v4 =	vadd.s32 v1, v4;
	_ =	sdelay $0x4  }
0x188: {  	[tilespmem:s30], [sflag:$0x1] =	stream.indirect_vreg.gather [hbm4b:s2+s3], $0x80, v4, vm0, $0xb8;
	[tilespmem:$0x1E100] =	vst v63  }
0x189: {  	s0 =	simm.s32 $0x900;
	v3 =	vperm.xlane v3, v2  }
0x18a: {  	[tilespmem:s0], [sflag:$0x1] =	stream.indirect_vreg.gather [hbm4b:s5+s3], $0x80, v4, vm0, $0xb8;
	[tilespmem:$0x1E100] =	vst v63  }
0x18b: {  	v3 =	vadd.s32 v1, v3;
	s0 =	simm.s32 $0x1100  }
0x18c: {  	[tilespmem:s0], [sflag:$0x1] =	stream.indirect_vreg.gather [hbm4b:s6+s3], $0x80, v4, vm0, $0xb8;
	[tilespmem:$0x1E100] =	vst v63  }
0x18d: {  	s0 =	simm.s32 $0x1900  }
0x18e: {  	[tilespmem:s0], [sflag:$0x1] =	stream.indirect_vreg.gather [hbm4b:s7+s3], $0x80, v4, vm0, $0xb8;
	[tilespmem:$0x1E100] =	vst v63  }
0x18f: {  	s0 =	simm.s32 $0x2100  }
0x190: {  	[tilespmem:s0], [sflag:$0x1] =	stream.indirect_vreg.gather [hbm4b:s2+s3], $0x80, v3, vm0, $0xb8;
	[tilespmem:$0x1E100] =	vst v63  }
0x191: {  	s0 =	simm.s32 $0x2900  }
0x192: {  	[tilespmem:s0], [sflag:$0x1] =	stream.indirect_vreg.gather [hbm4b:s5+s3], $0x80, v3, vm0, $0xb8;
	[tilespmem:$0x1E100] =	vst v63  }
0x193: {  	s0 =	simm.s32 $0x3100  }
0x194: {  	[tilespmem:s0], [sflag:$0x1] =	stream.indirect_vreg.gather [hbm4b:s6+s3], $0x80, v3, vm0, $0xb8;
	[tilespmem:$0x1E100] =	vst v63  }
0x195: {  	s0 =	simm.s32 $0x3900  }
0x196: {  	[tilespmem:s0], [sflag:$0x1] =	stream.indirect_vreg.gather [hbm4b:s7+s3], $0x80, v3, vm0, $0xb8;
	[tilespmem:$0x1E100] =	vst v63  }
0x197: {  	_ =	swait.ge [sflag:s1], $0xE000  }
0x198: {  	[sflag:s1] =	ssyncset.done $0x0  }
0x199: {  	s0 =	rddreg [dreg:$0x8];
	[sflag:s1] =	ssyncadd.s32 $0xFFFF2000  }
0x19a: {  	[hbm4b:s0+s3] =	stream.linear.scatter [tilespmem:s31], [sflag:$0x4], $0xE000, $0x38;
	[tilespmem:$0x1E100] =	vst v63  }
0x19b: {  	_ =	swait.ge [sflag:s9], $0xE000  }
0x19c: {  	[sflag:s9] =	ssyncset.done $0x0  }
0x19d: {  	[sflag:s9] =	ssyncadd.s32 $0xFFFF2000  }
0x19e: {  	_ =	swait.ge [sflag:s26], $0x4000  }
0x19f: {  	p0 =	sne.s32 s8, $0x1;
	[sflag:s26] =	ssyncset.done $0x0  }
.Ltmp0:
0x1a0: {  	s31 =	rddreg [dreg:$0x9];
	[sflag:s26] =	ssyncadd.s32 $0xFFFFC000;
	(pc) =	sbr.rel @p0 .LBB2_1-.Ltmp0, $4  }
0x1a1: {  	[hbm4b:s31+s3] =	stream.linear.scatter [tilespmem:s30], [sflag:$0x4], $0x4000, $0x38;
	[tilespmem:$0x1E100] =	vst v63  }
0x1a2: {  	_ =	swait.ge [sflag:s9], $0x4000  }
0x1a3: {  	[sflag:s9] =	ssyncset.done $0x0  }
0x1a4: {  	s8 =	sadd.s32 $0xFFFFFFFF, s8;
	[sflag:s9] =	ssyncadd.s32 $0xFFFFC000  }
0x1a5: {  	_ =	sfence.sel $0x180000  }
0x1a6: {  	[bflag:$0x0] =	sbarrier.arrive $0xFFFF  }
0x1a7: {  	_ =	strace $0x90000047  }
0x1a8: {  	s0 =	stileid.u32;
	[bflag:$0x2] =	sbarrier.arrive $0xFFFF  }
0x1a9: {  	p0 =	sne.s32 s0, $0x0;
	s0 =	rddreg [dreg:$0x3]  }
0x1aa: {  	s0 =	sadd.s32 @!p0 $0x100000, s0  }
0x1ab: {  	[sflag:s0] =	ssyncadd.tile.s32 @!p0 $0x1;
	_ =	shalt  }
.Lfunc_end2:
_tile_overlayer_lowered:
.L_overlay_start_2:
0x1ac: {  	(tag) =	ssettag $0x2  }
0x1ad: {  	s0 =	rddreg [dreg:$0x0];
	s2 =	stileid.u32  }
0x1ae: {  	s1 =	rddreg [dreg:$0x1];
	p0 =	sne.s32 s2, $0x0  }
0x1af: {  	s3 =	rddreg [dreg:$0x2];
	[bflag:$0x3] =	sbarrier.arrive $0xFFFF;
	s2 =	simm.s32 @!p0 $0x1C04  }
0x1b0: {  	[timem:s3], [sflag:s2] =	dma.local @!p0 [hbm:s0], s1  }
0x1b1: {  	s0 =	simm.s32 @!p0 $0x4  }
0x1b2: {  	_ =	swait.ge @!p0 [sflag:s0], s1  }
0x1b3: {  	s1 =	ssub.s32 @!p0 $0x0, s1;
	[sflag:s0] =	ssyncset.done @!p0 $0x0  }
0x1b4: {  	[sflag:s0] =	ssyncadd.s32 @!p0 s1  }
0x1b5: {  	[bflag:$0x3] =	sbarrier.arrive $0xFFFF  }
0x1b6: {  	_ =	shalt  }

</sc_bundles>
